<compile_context>
chip_gen: v7x
topology: tpu7x:2x2x1
jax: 0.10.2.dev20260603
libtpu: 0.0.44.dev20260713+nightly
codegen_flags: <defaults>
</compile_context>

<pallas_src>
import jax
import jax.numpy as jnp
from jax import lax
from jax.experimental import pallas as pl
from jax.experimental.pallas import tpu as pltpu
from jax.experimental.pallas import tpu_sc as plsc

B = 32
POOL = 1000
CTX_LEN = 36
CTX_DIM = 512
N_CLS = 100
SUF_LEN = 40
SEQ_LEN = 77
LANES = 16


def _sc_gather_body(idx_hbm, entity_hbm, out_hbm, idx_v, buf_v, sem):
    cid = lax.axis_index("c")
    sid = lax.axis_index("s")
    w = sid * 2 + cid
    pltpu.sync_copy(idx_hbm, idx_v.at[pl.ds(0, B)])
    my_idx = idx_v[pl.ds(w, LANES)][0]
    g = pl.multiple_of((my_idx // 8) * 8, 8)
    r = my_idx - g
    for off, n in ((0, 16), (16, 16), (32, 4)):
        n_pad = 8 if n == 4 else n
        pltpu.sync_copy(entity_hbm.at[pl.ds(off, n), pl.ds(g, 8)],
                        buf_v.at[pl.ds(0, n)])
        pltpu.sync_copy(buf_v.at[pl.ds(0, n_pad), r],
                        out_hbm.at[w, pl.ds(off, n_pad)])


CPB = 2


def _build_body(nl_ref, prefix_ref, suffix_ref, ctx_ref, out_ref):
    c = pl.program_id(0)
    pos = jax.lax.broadcasted_iota(jnp.int32, (SEQ_LEN, CTX_DIM), 0)
    for cc in range(CPB):
        nl = nl_ref[c * CPB + cc]
        s = suffix_ref[cc]
        p = prefix_ref[cc]
        s1 = jnp.concatenate([p, s, s[:SEQ_LEN - SUF_LEN - 1]], axis=0)
        s2 = jnp.concatenate([s[:SEQ_LEN - SUF_LEN], s], axis=0)
        base = jnp.where(pos <= nl, s1, s2)
        out_ref[:, cc * B:(cc + 1) * B, :] = jnp.broadcast_to(
            base[:, None, :], (SEQ_LEN, B, CTX_DIM))
        out_ref[pl.ds(nl + 1, CTX_LEN), cc * B:(cc + 1) * B, :] = ctx_ref[...]


def _tok_body(tok_ref, out_ref):
    out_ref[...] = tok_ref[...][None]


def kernel(indexs, entity_prompts, name_lens, token_prefix, token_suffix,
           tokenized_prompts, current_task):
    indexs = indexs.astype(jnp.int32)
    name_lens = name_lens.astype(jnp.int32)
    entity_t = jnp.transpose(entity_prompts, (1, 0, 2))

    mesh = plsc.VectorSubcoreMesh(core_axis_name="c", subcore_axis_name="s")
    ctx = pl.kernel(
        _sc_gather_body,
        out_type=jax.ShapeDtypeStruct((B, SUF_LEN, CTX_DIM), jnp.float32),
        mesh=mesh,
        scratch_types=[
            pltpu.VMEM((B + LANES,), jnp.int32),
            pltpu.VMEM((LANES, 8, CTX_DIM), jnp.float32),
            pltpu.SemaphoreType.DMA,
        ],
    )(indexs, entity_t)

    ctx_t = jnp.swapaxes(ctx[:, :CTX_LEN, :], 0, 1)

    prompts_t = pl.pallas_call(
        _build_body,
        grid_spec=pltpu.PrefetchScalarGridSpec(
            num_scalar_prefetch=1,
            grid=(N_CLS // CPB,),
            in_specs=[
                pl.BlockSpec((CPB, 1, CTX_DIM), lambda c, nl: (c, 0, 0)),
                pl.BlockSpec((CPB, SUF_LEN, CTX_DIM), lambda c, nl: (c, 0, 0)),
                pl.BlockSpec((CTX_LEN, B, CTX_DIM), lambda c, nl: (0, 0, 0)),
            ],
            out_specs=pl.BlockSpec((SEQ_LEN, CPB * B, CTX_DIM),
                                   lambda c, nl: (0, c, 0)),
        ),
        out_shape=jax.ShapeDtypeStruct((SEQ_LEN, N_CLS * B, CTX_DIM),
                                       jnp.float32),
    )(name_lens, token_prefix, token_suffix, ctx_t)
    prompts = jnp.transpose(prompts_t, (1, 0, 2))

    tok = pl.pallas_call(
        _tok_body,
        grid=(B,),
        in_specs=[pl.BlockSpec((N_CLS, SEQ_LEN), lambda b: (0, 0))],
        out_specs=pl.BlockSpec((1, N_CLS, SEQ_LEN), lambda b: (b, 0, 0)),
        out_shape=jax.ShapeDtypeStruct((B, N_CLS, SEQ_LEN),
                                       tokenized_prompts.dtype),
    )(tokenized_prompts)

    return (prompts, tok.reshape(B * N_CLS, SEQ_LEN))

# --- scband reference (transcript-rebuilt; emitter-appended) ---
"""Pipeline reference for scband-prompt-learner-55370718380032 (READ-ONLY COPY).

The authoritative reference and input builder live on the scoring server;
editing this copy changes nothing except your own understanding.
"""

import jax, jax.numpy as jnp
import numpy as np

B = 32
POOL = 1000
N_CTX = 12
TEXT_PROMPT = 3
CTX_DIM = 512
CLASS_PER_TASK = 10
CURRENT_TASK = 9
TOTAL_CLS = (CURRENT_TASK + 1) * CLASS_PER_TASK
SUF_LEN = 40
SEQ_LEN = 77
VOCAB = 49408


def setup_inputs(seed: int = 0) -> dict:
    key = jax.random.key(seed)
    k = jax.random.split(key, 6)
    indexs = jax.random.randint(k[0], (B,), 0, POOL)
    entity_prompts = jax.random.normal(k[1], (POOL, N_CTX * TEXT_PROMPT, CTX_DIM), dtype=jnp.float32)
    name_lens = jax.random.randint(k[2], (TOTAL_CLS,), 0, 20)
    token_prefix = jax.random.normal(k[3], (TOTAL_CLS, 1, CTX_DIM), dtype=jnp.float32)
    token_suffix = jax.random.normal(k[4], (TOTAL_CLS, SUF_LEN, CTX_DIM), dtype=jnp.float32)
    tokenized_prompts = jax.random.randint(k[5], (TOTAL_CLS, SEQ_LEN), 0, VOCAB)
    return {
        'indexs': indexs,
        'entity_prompts': entity_prompts,
        'name_lens': name_lens,
        'token_prefix': token_prefix,
        'token_suffix': token_suffix,
        'tokenized_prompts': tokenized_prompts,
        'current_task': CURRENT_TASK,
    }


def reference(indexs, entity_prompts, name_lens, token_prefix, token_suffix, tokenized_prompts, current_task):
    batch = indexs.shape[0]
    # embedding-style gather from the learned prompt pool
    ctx = jnp.take(entity_prompts, indexs, axis=0).reshape(batch, N_CTX * TEXT_PROMPT, CTX_DIM)
    n_cls = name_lens.shape[0]
    nl = name_lens.reshape(n_cls, 1)
    pos = jnp.arange(SEQ_LEN)
    idx_class = jnp.clip(pos - 1, 0, SUF_LEN - 1)
    idx_tail = jnp.clip(pos - (SEQ_LEN - SUF_LEN), 0, SUF_LEN - 1)
    idx_ctx = jnp.clip(pos[None, :] - nl - 1, 0, N_CTX * TEXT_PROMPT - 1)
    class_part = token_suffix[:, idx_class, :][:, None, :, :]
    tail_part = token_suffix[:, idx_tail, :][:, None, :, :]
    ctx_part = jnp.transpose(ctx[:, idx_ctx, :], (1, 0, 2, 3))
    prefix_part = token_prefix[:, :, None, :]
    sel = pos[None, None, :, None]
    nlb = nl[:, None, :, None]
    prompts = jnp.where(
        sel == 0,
        prefix_part,
        jnp.where(
            sel <= nlb,
            class_part,
            jnp.where(sel <= nlb + N_CTX * TEXT_PROMPT, ctx_part, tail_part),
        ),
    )
    prompts = jnp.broadcast_to(prompts, (n_cls, batch, SEQ_LEN, CTX_DIM)).reshape(batch * n_cls, SEQ_LEN, CTX_DIM)
    tok = tokenized_prompts[:n_cls].reshape(n_cls, -1)
    tok = tok + current_task * 0
    tok = jnp.broadcast_to(tok[None, :, :], (batch, n_cls, tok.shape[1])).reshape(batch * n_cls, -1)
    return (prompts, tok)

if __name__ == "__main__":
    import jax
    _d = setup_inputs()
    print(jax.jit(kernel)(*tuple(_d.values())))

</pallas_src>

<mosaic_0001>
#map = affine_map<(d0, d1) -> (0)>
#map1 = affine_map<(d0, d1) -> (0, 0, 0)>
module attributes {stable_mosaic.version = 14 : i64} {
  func.func @_sc_gather_body(%arg0: i32, %arg1: i32, %arg2: memref<32xi32, #tpu.memory_space<hbm>>, %arg3: memref<36x1000x512xf32, #tpu.memory_space<hbm>>, %arg4: memref<32x40x512xf32, #tpu.memory_space<hbm>>, %arg5: memref<48xi32, #tpu.memory_space<vmem>>, %arg6: memref<16x8x512xf32, #tpu.memory_space<vmem>>, %arg7: memref<!tpu.dma_semaphore, #tpu.memory_space<semaphore_mem>>) attributes {dimension_semantics = [#tpu.dimension_semantics<core_parallel>, #tpu.dimension_semantics<subcore_parallel>], iteration_bounds = array<i64: 2, 16>, scalar_prefetch = 0 : i64, scratch_operands = 3 : i64, tpu.core_type = #tpu.core_type<sc_vector_subcore>, window_params = [{transform_indices = #map}, {transform_indices = #map1}, {transform_indices = #map1}]} {
    %mul3A = arith.constant 2 : i32
    %mul3A_0 = arith.muli %arg1, %mul3A : i32
    %add3A = arith.addi %mul3A_0, %arg0 : i32
    "tpu.region"() ({
      %run_scoped3A = tpu.sem_alloc : memref<!tpu.dma_semaphore, #tpu.memory_space<semaphore_mem>>
      %dma_start3A = arith.constant 0 : i32
      %dma_start3A_22 = tpu.memref_slice %arg5[%dma_start3A] : memref<48xi32, #tpu.memory_space<vmem>> -> memref<32xi32, #tpu.memory_space<vmem>>
      %dma_start3A_23 = arith.constant 0 : i32
      %dma_start3A_24 = tpu.memref_slice %arg5[%dma_start3A_23] : memref<48xi32, #tpu.memory_space<vmem>> -> memref<32xi32, #tpu.memory_space<vmem>>
      tpu.enqueue_dma source(%arg2 : memref<32xi32, #tpu.memory_space<hbm>>) target(%dma_start3A_24 : memref<32xi32, #tpu.memory_space<vmem>>) target_semaphore(%run_scoped3A : memref<!tpu.dma_semaphore, #tpu.memory_space<semaphore_mem>>)
      %dma_wait3A = arith.constant 0 : i32
      %dma_wait3A_25 = tpu.memref_slice %arg5[%dma_wait3A] : memref<48xi32, #tpu.memory_space<vmem>> -> memref<32xi32, #tpu.memory_space<vmem>>
      %dma_wait3A_26 = arith.constant 0 : i32
      %dma_wait3A_27 = tpu.memref_slice %arg5[%dma_wait3A_26] : memref<48xi32, #tpu.memory_space<vmem>> -> memref<32xi32, #tpu.memory_space<vmem>>
      tpu.wait_dma2 semaphore(%run_scoped3A : memref<!tpu.dma_semaphore, #tpu.memory_space<semaphore_mem>>) src(%arg2 : memref<32xi32, #tpu.memory_space<hbm>>) dst(%dma_wait3A_27 : memref<32xi32, #tpu.memory_space<vmem>>)
      tpu.yield
    }) : () -> ()
    %get3A = arith.index_cast %add3A : i32 to index
    %get3A_1 = tpu.vector_load %arg5[%get3A] {strides = array<i32>} : memref<48xi32, #tpu.memory_space<vmem>>, vector<16xi32>,
    %get3A_2 = vector.shape_cast %get3A_1 : vector<16xi32> to vector<16xi32>
    %slice3A = vector.extract_strided_slice %get3A_2 {offsets = [0], sizes = [1], strides = [1]} : vector<16xi32> to vector<1xi32>
    %squeeze3A = vector.extract %slice3A[0] : i32 from vector<1xi32>
    %jit3A = arith.constant 8 : i32
    %div3A = arith.divsi %squeeze3A, %jit3A : i32
    %sign3A = arith.constant 0 : i32
    %sign3A_3 = arith.cmpi sgt, %squeeze3A, %sign3A : i32
    %sign3A_4 = arith.extui %sign3A_3 : i1 to i32
    %sign3A_5 = arith.constant 0 : i32
    %sign3A_6 = arith.cmpi slt, %squeeze3A, %sign3A_5 : i32
    %sign3A_7 = arith.extui %sign3A_6 : i1 to i32
    %sign3A_8 = arith.subi %sign3A_4, %sign3A_7 : i32
    %sign3A_9 = arith.constant 0 : i32
    %sign3A_10 = arith.cmpi sgt, %jit3A, %sign3A_9 : i32
    %sign3A_11 = arith.extui %sign3A_10 : i1 to i32
    %sign3A_12 = arith.constant 0 : i32
    %sign3A_13 = arith.cmpi slt, %jit3A, %sign3A_12 : i32
    %sign3A_14 = arith.extui %sign3A_13 : i1 to i32
    %sign3A_15 = arith.subi %sign3A_11, %sign3A_14 : i32
    %ne3A = arith.cmpi ne, %sign3A_8, %sign3A_15 : i32
    %rem3A = arith.remsi %squeeze3A, %jit3A : i32
    %ne3A_16 = arith.constant 0 : i32
    %ne3A_17 = arith.cmpi ne, %rem3A, %ne3A_16 : i32
    %and3A = arith.andi %ne3A, %ne3A_17 : i1
    %sub3A = arith.constant 1 : i32
    %sub3A_18 = arith.subi %div3A, %sub3A : i32
    %select_n3A = arith.select %and3A, %sub3A_18, %div3A : i32
    %mul3A_19 = arith.constant 8 : i32
    %mul3A_20 = arith.muli %select_n3A, %mul3A_19 : i32
    %multiple_of3A = tpu.assume_multiple %mul3A_20, 8 : i32
    %sub3A_21 = arith.subi %squeeze3A, %multiple_of3A : i32
    "tpu.region"() ({
      %run_scoped3A = tpu.sem_alloc : memref<!tpu.dma_semaphore, #tpu.memory_space<semaphore_mem>>
      %dma_start3A = arith.constant 0 : i32
      %dma_start3A_22 = arith.constant 0 : i32
      %dma_start3A_23 = arith.constant 0 : i32
      %dma_start3A_24 = tpu.memref_slice %arg6[%dma_start3A, %dma_start3A_22, %dma_start3A_23] : memref<16x8x512xf32, #tpu.memory_space<vmem>> -> memref<16x8x512xf32, #tpu.memory_space<vmem>>
      %dma_start3A_25 = arith.constant 0 : i32
      %dma_start3A_26 = arith.constant 0 : i32
      %dma_start3A_27 = tpu.memref_slice %arg3[%dma_start3A_25, %multiple_of3A, %dma_start3A_26] : memref<36x1000x512xf32, #tpu.memory_space<hbm>> -> memref<16x8x512xf32, #tpu.memory_space<hbm>>
      %dma_start3A_28 = arith.constant 0 : i32
      %dma_start3A_29 = arith.constant 0 : i32
      %dma_start3A_30 = arith.constant 0 : i32
      %dma_start3A_31 = tpu.memref_slice %arg6[%dma_start3A_28, %dma_start3A_29, %dma_start3A_30] : memref<16x8x512xf32, #tpu.memory_space<vmem>> -> memref<16x8x512xf32, #tpu.memory_space<vmem>>
      %dma_start3A_32 = arith.constant 0 : i32
      %dma_start3A_33 = arith.constant 0 : i32
      %dma_start3A_34 = tpu.memref_slice %arg3[%dma_start3A_32, %multiple_of3A, %dma_start3A_33] : memref<36x1000x512xf32, #tpu.memory_space<hbm>> -> memref<16x8x512xf32, #tpu.memory_space<hbm>>
      tpu.enqueue_dma source(%dma_start3A_34 : memref<16x8x512xf32, #tpu.memory_space<hbm>>) target(%dma_start3A_31 : memref<16x8x512xf32, #tpu.memory_space<vmem>>) target_semaphore(%run_scoped3A : memref<!tpu.dma_semaphore, #tpu.memory_space<semaphore_mem>>)
      %dma_wait3A = arith.constant 0 : i32
      %dma_wait3A_35 = arith.constant 0 : i32
      %dma_wait3A_36 = arith.constant 0 : i32
      %dma_wait3A_37 = tpu.memref_slice %arg6[%dma_wait3A, %dma_wait3A_35, %dma_wait3A_36] : memref<16x8x512xf32, #tpu.memory_space<vmem>> -> memref<16x8x512xf32, #tpu.memory_space<vmem>>
      %dma_wait3A_38 = arith.constant 0 : i32
      %dma_wait3A_39 = arith.constant 0 : i32
      %dma_wait3A_40 = tpu.memref_slice %arg3[%dma_wait3A_38, %multiple_of3A, %dma_wait3A_39] : memref<36x1000x512xf32, #tpu.memory_space<hbm>> -> memref<16x8x512xf32, #tpu.memory_space<hbm>>
      %dma_wait3A_41 = arith.constant 0 : i32
      %dma_wait3A_42 = arith.constant 0 : i32
      %dma_wait3A_43 = arith.constant 0 : i32
      %dma_wait3A_44 = tpu.memref_slice %arg6[%dma_wait3A_41, %dma_wait3A_42, %dma_wait3A_43] : memref<16x8x512xf32, #tpu.memory_space<vmem>> -> memref<16x8x512xf32, #tpu.memory_space<vmem>>
      %dma_wait3A_45 = arith.constant 0 : i32
      %dma_wait3A_46 = arith.constant 0 : i32
      %dma_wait3A_47 = tpu.memref_slice %arg3[%dma_wait3A_45, %multiple_of3A, %dma_wait3A_46] : memref<36x1000x512xf32, #tpu.memory_space<hbm>> -> memref<16x8x512xf32, #tpu.memory_space<hbm>>
      tpu.wait_dma2 semaphore(%run_scoped3A : memref<!tpu.dma_semaphore, #tpu.memory_space<semaphore_mem>>) src(%dma_wait3A_47 : memref<16x8x512xf32, #tpu.memory_space<hbm>>) dst(%dma_wait3A_44 : memref<16x8x512xf32, #tpu.memory_space<vmem>>)
      tpu.yield
    }) : () -> ()
    "tpu.region"() ({
      %run_scoped3A = tpu.sem_alloc : memref<!tpu.dma_semaphore, #tpu.memory_space<semaphore_mem>>
      %dma_start3A = arith.constant 0 : i32
      %dma_start3A_22 = arith.constant 0 : i32
      %dma_start3A_23 = tpu.memref_slice %arg6[%dma_start3A, %sub3A_21, %dma_start3A_22] : memref<16x8x512xf32, #tpu.memory_space<vmem>> -> memref<16x1x512xf32, #tpu.memory_space<vmem>>
      %dma_start3A_24 = tpu.memref_squeeze %dma_start3A_23 : memref<16x1x512xf32, #tpu.memory_space<vmem>> -> memref<16x512xf32, #tpu.memory_space<vmem>>
      %dma_start3A_25 = arith.constant 0 : i32
      %dma_start3A_26 = arith.constant 0 : i32
      %dma_start3A_27 = tpu.memref_slice %arg4[%add3A, %dma_start3A_25, %dma_start3A_26] : memref<32x40x512xf32, #tpu.memory_space<hbm>> -> memref<1x16x512xf32, #tpu.memory_space<hbm>>
      %dma_start3A_28 = tpu.memref_squeeze %dma_start3A_27 : memref<1x16x512xf32, #tpu.memory_space<hbm>> -> memref<16x512xf32, #tpu.memory_space<hbm>>
      %dma_start3A_29 = arith.constant 0 : i32
      %dma_start3A_30 = arith.constant 0 : i32
      %dma_start3A_31 = tpu.memref_slice %arg4[%add3A, %dma_start3A_29, %dma_start3A_30] : memref<32x40x512xf32, #tpu.memory_space<hbm>> -> memref<1x16x512xf32, #tpu.memory_space<hbm>>
      %dma_start3A_32 = tpu.memref_squeeze %dma_start3A_31 : memref<1x16x512xf32, #tpu.memory_space<hbm>> -> memref<16x512xf32, #tpu.memory_space<hbm>>
      %dma_start3A_33 = arith.constant 0 : i32
      %dma_start3A_34 = arith.constant 0 : i32
      %dma_start3A_35 = tpu.memref_slice %arg6[%dma_start3A_33, %sub3A_21, %dma_start3A_34] : memref<16x8x512xf32, #tpu.memory_space<vmem>> -> memref<16x1x512xf32, #tpu.memory_space<vmem>>
      %dma_start3A_36 = tpu.memref_squeeze %dma_start3A_35 : memref<16x1x512xf32, #tpu.memory_space<vmem>> -> memref<16x512xf32, #tpu.memory_space<vmem>>
      tpu.enqueue_dma source(%dma_start3A_36 : memref<16x512xf32, #tpu.memory_space<vmem>>) target(%dma_start3A_32 : memref<16x512xf32, #tpu.memory_space<hbm>>) target_semaphore(%run_scoped3A : memref<!tpu.dma_semaphore, #tpu.memory_space<semaphore_mem>>)
      %dma_wait3A = arith.constant 0 : i32
      %dma_wait3A_37 = arith.constant 0 : i32
      %dma_wait3A_38 = tpu.memref_slice %arg6[%dma_wait3A, %sub3A_21, %dma_wait3A_37] : memref<16x8x512xf32, #tpu.memory_space<vmem>> -> memref<16x1x512xf32, #tpu.memory_space<vmem>>
      %dma_wait3A_39 = tpu.memref_squeeze %dma_wait3A_38 : memref<16x1x512xf32, #tpu.memory_space<vmem>> -> memref<16x512xf32, #tpu.memory_space<vmem>>
      %dma_wait3A_40 = arith.constant 0 : i32
      %dma_wait3A_41 = arith.constant 0 : i32
      %dma_wait3A_42 = tpu.memref_slice %arg4[%add3A, %dma_wait3A_40, %dma_wait3A_41] : memref<32x40x512xf32, #tpu.memory_space<hbm>> -> memref<1x16x512xf32, #tpu.memory_space<hbm>>
      %dma_wait3A_43 = tpu.memref_squeeze %dma_wait3A_42 : memref<1x16x512xf32, #tpu.memory_space<hbm>> -> memref<16x512xf32, #tpu.memory_space<hbm>>
      %dma_wait3A_44 = arith.constant 0 : i32
      %dma_wait3A_45 = arith.constant 0 : i32
      %dma_wait3A_46 = tpu.memref_slice %arg4[%add3A, %dma_wait3A_44, %dma_wait3A_45] : memref<32x40x512xf32, #tpu.memory_space<hbm>> -> memref<1x16x512xf32, #tpu.memory_space<hbm>>
      %dma_wait3A_47 = tpu.memref_squeeze %dma_wait3A_46 : memref<1x16x512xf32, #tpu.memory_space<hbm>> -> memref<16x512xf32, #tpu.memory_space<hbm>>
      %dma_wait3A_48 = arith.constant 0 : i32
      %dma_wait3A_49 = arith.constant 0 : i32
      %dma_wait3A_50 = tpu.memref_slice %arg6[%dma_wait3A_48, %sub3A_21, %dma_wait3A_49] : memref<16x8x512xf32, #tpu.memory_space<vmem>> -> memref<16x1x512xf32, #tpu.memory_space<vmem>>
      %dma_wait3A_51 = tpu.memref_squeeze %dma_wait3A_50 : memref<16x1x512xf32, #tpu.memory_space<vmem>> -> memref<16x512xf32, #tpu.memory_space<vmem>>
      tpu.wait_dma2 semaphore(%run_scoped3A : memref<!tpu.dma_semaphore, #tpu.memory_space<semaphore_mem>>) src(%dma_wait3A_51 : memref<16x512xf32, #tpu.memory_space<vmem>>) dst(%dma_wait3A_47 : memref<16x512xf32, #tpu.memory_space<hbm>>)
      tpu.yield
    }) : () -> ()
    "tpu.region"() ({
      %run_scoped3A = tpu.sem_alloc : memref<!tpu.dma_semaphore, #tpu.memory_space<semaphore_mem>>
      %dma_start3A = arith.constant 0 : i32
      %dma_start3A_22 = arith.constant 0 : i32
      %dma_start3A_23 = arith.constant 0 : i32
      %dma_start3A_24 = tpu.memref_slice %arg6[%dma_start3A, %dma_start3A_22, %dma_start3A_23] : memref<16x8x512xf32, #tpu.memory_space<vmem>> -> memref<16x8x512xf32, #tpu.memory_space<vmem>>
      %dma_start3A_25 = arith.constant 16 : i32
      %dma_start3A_26 = arith.constant 0 : i32
      %dma_start3A_27 = tpu.memref_slice %arg3[%dma_start3A_25, %multiple_of3A, %dma_start3A_26] : memref<36x1000x512xf32, #tpu.memory_space<hbm>> -> memref<16x8x512xf32, #tpu.memory_space<hbm>>
      %dma_start3A_28 = arith.constant 0 : i32
      %dma_start3A_29 = arith.constant 0 : i32
      %dma_start3A_30 = arith.constant 0 : i32
      %dma_start3A_31 = tpu.memref_slice %arg6[%dma_start3A_28, %dma_start3A_29, %dma_start3A_30] : memref<16x8x512xf32, #tpu.memory_space<vmem>> -> memref<16x8x512xf32, #tpu.memory_space<vmem>>
      %dma_start3A_32 = arith.constant 16 : i32
      %dma_start3A_33 = arith.constant 0 : i32
      %dma_start3A_34 = tpu.memref_slice %arg3[%dma_start3A_32, %multiple_of3A, %dma_start3A_33] : memref<36x1000x512xf32, #tpu.memory_space<hbm>> -> memref<16x8x512xf32, #tpu.memory_space<hbm>>
      tpu.enqueue_dma source(%dma_start3A_34 : memref<16x8x512xf32, #tpu.memory_space<hbm>>) target(%dma_start3A_31 : memref<16x8x512xf32, #tpu.memory_space<vmem>>) target_semaphore(%run_scoped3A : memref<!tpu.dma_semaphore, #tpu.memory_space<semaphore_mem>>)
      %dma_wait3A = arith.constant 0 : i32
      %dma_wait3A_35 = arith.constant 0 : i32
      %dma_wait3A_36 = arith.constant 0 : i32
      %dma_wait3A_37 = tpu.memref_slice %arg6[%dma_wait3A, %dma_wait3A_35, %dma_wait3A_36] : memref<16x8x512xf32, #tpu.memory_space<vmem>> -> memref<16x8x512xf32, #tpu.memory_space<vmem>>
      %dma_wait3A_38 = arith.constant 16 : i32
      %dma_wait3A_39 = arith.constant 0 : i32
      %dma_wait3A_40 = tpu.memref_slice %arg3[%dma_wait3A_38, %multiple_of3A, %dma_wait3A_39] : memref<36x1000x512xf32, #tpu.memory_space<hbm>> -> memref<16x8x512xf32, #tpu.memory_space<hbm>>
      %dma_wait3A_41 = arith.constant 0 : i32
      %dma_wait3A_42 = arith.constant 0 : i32
      %dma_wait3A_43 = arith.constant 0 : i32
      %dma_wait3A_44 = tpu.memref_slice %arg6[%dma_wait3A_41, %dma_wait3A_42, %dma_wait3A_43] : memref<16x8x512xf32, #tpu.memory_space<vmem>> -> memref<16x8x512xf32, #tpu.memory_space<vmem>>
      %dma_wait3A_45 = arith.constant 16 : i32
      %dma_wait3A_46 = arith.constant 0 : i32
      %dma_wait3A_47 = tpu.memref_slice %arg3[%dma_wait3A_45, %multiple_of3A, %dma_wait3A_46] : memref<36x1000x512xf32, #tpu.memory_space<hbm>> -> memref<16x8x512xf32, #tpu.memory_space<hbm>>
      tpu.wait_dma2 semaphore(%run_scoped3A : memref<!tpu.dma_semaphore, #tpu.memory_space<semaphore_mem>>) src(%dma_wait3A_47 : memref<16x8x512xf32, #tpu.memory_space<hbm>>) dst(%dma_wait3A_44 : memref<16x8x512xf32, #tpu.memory_space<vmem>>)
      tpu.yield
    }) : () -> ()
    "tpu.region"() ({
      %run_scoped3A = tpu.sem_alloc : memref<!tpu.dma_semaphore, #tpu.memory_space<semaphore_mem>>
      %dma_start3A = arith.constant 0 : i32
      %dma_start3A_22 = arith.constant 0 : i32
      %dma_start3A_23 = tpu.memref_slice %arg6[%dma_start3A, %sub3A_21, %dma_start3A_22] : memref<16x8x512xf32, #tpu.memory_space<vmem>> -> memref<16x1x512xf32, #tpu.memory_space<vmem>>
      %dma_start3A_24 = tpu.memref_squeeze %dma_start3A_23 : memref<16x1x512xf32, #tpu.memory_space<vmem>> -> memref<16x512xf32, #tpu.memory_space<vmem>>
      %dma_start3A_25 = arith.constant 16 : i32
      %dma_start3A_26 = arith.constant 0 : i32
      %dma_start3A_27 = tpu.memref_slice %arg4[%add3A, %dma_start3A_25, %dma_start3A_26] : memref<32x40x512xf32, #tpu.memory_space<hbm>> -> memref<1x16x512xf32, #tpu.memory_space<hbm>>
      %dma_start3A_28 = tpu.memref_squeeze %dma_start3A_27 : memref<1x16x512xf32, #tpu.memory_space<hbm>> -> memref<16x512xf32, #tpu.memory_space<hbm>>
      %dma_start3A_29 = arith.constant 16 : i32
      %dma_start3A_30 = arith.constant 0 : i32
      %dma_start3A_31 = tpu.memref_slice %arg4[%add3A, %dma_start3A_29, %dma_start3A_30] : memref<32x40x512xf32, #tpu.memory_space<hbm>> -> memref<1x16x512xf32, #tpu.memory_space<hbm>>
      %dma_start3A_32 = tpu.memref_squeeze %dma_start3A_31 : memref<1x16x512xf32, #tpu.memory_space<hbm>> -> memref<16x512xf32, #tpu.memory_space<hbm>>
      %dma_start3A_33 = arith.constant 0 : i32
      %dma_start3A_34 = arith.constant 0 : i32
      %dma_start3A_35 = tpu.memref_slice %arg6[%dma_start3A_33, %sub3A_21, %dma_start3A_34] : memref<16x8x512xf32, #tpu.memory_space<vmem>> -> memref<16x1x512xf32, #tpu.memory_space<vmem>>
      %dma_start3A_36 = tpu.memref_squeeze %dma_start3A_35 : memref<16x1x512xf32, #tpu.memory_space<vmem>> -> memref<16x512xf32, #tpu.memory_space<vmem>>
      tpu.enqueue_dma source(%dma_start3A_36 : memref<16x512xf32, #tpu.memory_space<vmem>>) target(%dma_start3A_32 : memref<16x512xf32, #tpu.memory_space<hbm>>) target_semaphore(%run_scoped3A : memref<!tpu.dma_semaphore, #tpu.memory_space<semaphore_mem>>)
      %dma_wait3A = arith.constant 0 : i32
      %dma_wait3A_37 = arith.constant 0 : i32
      %dma_wait3A_38 = tpu.memref_slice %arg6[%dma_wait3A, %sub3A_21, %dma_wait3A_37] : memref<16x8x512xf32, #tpu.memory_space<vmem>> -> memref<16x1x512xf32, #tpu.memory_space<vmem>>
      %dma_wait3A_39 = tpu.memref_squeeze %dma_wait3A_38 : memref<16x1x512xf32, #tpu.memory_space<vmem>> -> memref<16x512xf32, #tpu.memory_space<vmem>>
      %dma_wait3A_40 = arith.constant 16 : i32
      %dma_wait3A_41 = arith.constant 0 : i32
      %dma_wait3A_42 = tpu.memref_slice %arg4[%add3A, %dma_wait3A_40, %dma_wait3A_41] : memref<32x40x512xf32, #tpu.memory_space<hbm>> -> memref<1x16x512xf32, #tpu.memory_space<hbm>>
      %dma_wait3A_43 = tpu.memref_squeeze %dma_wait3A_42 : memref<1x16x512xf32, #tpu.memory_space<hbm>> -> memref<16x512xf32, #tpu.memory_space<hbm>>
      %dma_wait3A_44 = arith.constant 16 : i32
      %dma_wait3A_45 = arith.constant 0 : i32
      %dma_wait3A_46 = tpu.memref_slice %arg4[%add3A, %dma_wait3A_44, %dma_wait3A_45] : memref<32x40x512xf32, #tpu.memory_space<hbm>> -> memref<1x16x512xf32, #tpu.memory_space<hbm>>
      %dma_wait3A_47 = tpu.memref_squeeze %dma_wait3A_46 : memref<1x16x512xf32, #tpu.memory_space<hbm>> -> memref<16x512xf32, #tpu.memory_space<hbm>>
      %dma_wait3A_48 = arith.constant 0 : i32
      %dma_wait3A_49 = arith.constant 0 : i32
      %dma_wait3A_50 = tpu.memref_slice %arg6[%dma_wait3A_48, %sub3A_21, %dma_wait3A_49] : memref<16x8x512xf32, #tpu.memory_space<vmem>> -> memref<16x1x512xf32, #tpu.memory_space<vmem>>
      %dma_wait3A_51 = tpu.memref_squeeze %dma_wait3A_50 : memref<16x1x512xf32, #tpu.memory_space<vmem>> -> memref<16x512xf32, #tpu.memory_space<vmem>>
      tpu.wait_dma2 semaphore(%run_scoped3A : memref<!tpu.dma_semaphore, #tpu.memory_space<semaphore_mem>>) src(%dma_wait3A_51 : memref<16x512xf32, #tpu.memory_space<vmem>>) dst(%dma_wait3A_47 : memref<16x512xf32, #tpu.memory_space<hbm>>)
      tpu.yield
    }) : () -> ()
    "tpu.region"() ({
      %run_scoped3A = tpu.sem_alloc : memref<!tpu.dma_semaphore, #tpu.memory_space<semaphore_mem>>
      %dma_start3A = arith.constant 0 : i32
      %dma_start3A_22 = arith.constant 0 : i32
      %dma_start3A_23 = arith.constant 0 : i32
      %dma_start3A_24 = tpu.memref_slice %arg6[%dma_start3A, %dma_start3A_22, %dma_start3A_23] : memref<16x8x512xf32, #tpu.memory_space<vmem>> -> memref<4x8x512xf32, #tpu.memory_space<vmem>>
      %dma_start3A_25 = arith.constant 32 : i32
      %dma_start3A_26 = arith.constant 0 : i32
      %dma_start3A_27 = tpu.memref_slice %arg3[%dma_start3A_25, %multiple_of3A, %dma_start3A_26] : memref<36x1000x512xf32, #tpu.memory_space<hbm>> -> memref<4x8x512xf32, #tpu.memory_space<hbm>>
      %dma_start3A_28 = arith.constant 0 : i32
      %dma_start3A_29 = arith.constant 0 : i32
      %dma_start3A_30 = arith.constant 0 : i32
      %dma_start3A_31 = tpu.memref_slice %arg6[%dma_start3A_28, %dma_start3A_29, %dma_start3A_30] : memref<16x8x512xf32, #tpu.memory_space<vmem>> -> memref<4x8x512xf32, #tpu.memory_space<vmem>>
      %dma_start3A_32 = arith.constant 32 : i32
      %dma_start3A_33 = arith.constant 0 : i32
      %dma_start3A_34 = tpu.memref_slice %arg3[%dma_start3A_32, %multiple_of3A, %dma_start3A_33] : memref<36x1000x512xf32, #tpu.memory_space<hbm>> -> memref<4x8x512xf32, #tpu.memory_space<hbm>>
      tpu.enqueue_dma source(%dma_start3A_34 : memref<4x8x512xf32, #tpu.memory_space<hbm>>) target(%dma_start3A_31 : memref<4x8x512xf32, #tpu.memory_space<vmem>>) target_semaphore(%run_scoped3A : memref<!tpu.dma_semaphore, #tpu.memory_space<semaphore_mem>>)
      %dma_wait3A = arith.constant 0 : i32
      %dma_wait3A_35 = arith.constant 0 : i32
      %dma_wait3A_36 = arith.constant 0 : i32
      %dma_wait3A_37 = tpu.memref_slice %arg6[%dma_wait3A, %dma_wait3A_35, %dma_wait3A_36] : memref<16x8x512xf32, #tpu.memory_space<vmem>> -> memref<4x8x512xf32, #tpu.memory_space<vmem>>
      %dma_wait3A_38 = arith.constant 32 : i32
      %dma_wait3A_39 = arith.constant 0 : i32
      %dma_wait3A_40 = tpu.memref_slice %arg3[%dma_wait3A_38, %multiple_of3A, %dma_wait3A_39] : memref<36x1000x512xf32, #tpu.memory_space<hbm>> -> memref<4x8x512xf32, #tpu.memory_space<hbm>>
      %dma_wait3A_41 = arith.constant 0 : i32
      %dma_wait3A_42 = arith.constant 0 : i32
      %dma_wait3A_43 = arith.constant 0 : i32
      %dma_wait3A_44 = tpu.memref_slice %arg6[%dma_wait3A_41, %dma_wait3A_42, %dma_wait3A_43] : memref<16x8x512xf32, #tpu.memory_space<vmem>> -> memref<4x8x512xf32, #tpu.memory_space<vmem>>
      %dma_wait3A_45 = arith.constant 32 : i32
      %dma_wait3A_46 = arith.constant 0 : i32
      %dma_wait3A_47 = tpu.memref_slice %arg3[%dma_wait3A_45, %multiple_of3A, %dma_wait3A_46] : memref<36x1000x512xf32, #tpu.memory_space<hbm>> -> memref<4x8x512xf32, #tpu.memory_space<hbm>>
      tpu.wait_dma2 semaphore(%run_scoped3A : memref<!tpu.dma_semaphore, #tpu.memory_space<semaphore_mem>>) src(%dma_wait3A_47 : memref<4x8x512xf32, #tpu.memory_space<hbm>>) dst(%dma_wait3A_44 : memref<4x8x512xf32, #tpu.memory_space<vmem>>)
      tpu.yield
    }) : () -> ()
    "tpu.region"() ({
      %run_scoped3A = tpu.sem_alloc : memref<!tpu.dma_semaphore, #tpu.memory_space<semaphore_mem>>
      %dma_start3A = arith.constant 0 : i32
      %dma_start3A_22 = arith.constant 0 : i32
      %dma_start3A_23 = tpu.memref_slice %arg6[%dma_start3A, %sub3A_21, %dma_start3A_22] : memref<16x8x512xf32, #tpu.memory_space<vmem>> -> memref<8x1x512xf32, #tpu.memory_space<vmem>>
      %dma_start3A_24 = tpu.memref_squeeze %dma_start3A_23 : memref<8x1x512xf32, #tpu.memory_space<vmem>> -> memref<8x512xf32, #tpu.memory_space<vmem>>
      %dma_start3A_25 = arith.constant 32 : i32
      %dma_start3A_26 = arith.constant 0 : i32
      %dma_start3A_27 = tpu.memref_slice %arg4[%add3A, %dma_start3A_25, %dma_start3A_26] : memref<32x40x512xf32, #tpu.memory_space<hbm>> -> memref<1x8x512xf32, #tpu.memory_space<hbm>>
      %dma_start3A_28 = tpu.memref_squeeze %dma_start3A_27 : memref<1x8x512xf32, #tpu.memory_space<hbm>> -> memref<8x512xf32, #tpu.memory_space<hbm>>
      %dma_start3A_29 = arith.constant 32 : i32
      %dma_start3A_30 = arith.constant 0 : i32
      %dma_start3A_31 = tpu.memref_slice %arg4[%add3A, %dma_start3A_29, %dma_start3A_30] : memref<32x40x512xf32, #tpu.memory_space<hbm>> -> memref<1x8x512xf32, #tpu.memory_space<hbm>>
      %dma_start3A_32 = tpu.memref_squeeze %dma_start3A_31 : memref<1x8x512xf32, #tpu.memory_space<hbm>> -> memref<8x512xf32, #tpu.memory_space<hbm>>
      %dma_start3A_33 = arith.constant 0 : i32
      %dma_start3A_34 = arith.constant 0 : i32
      %dma_start3A_35 = tpu.memref_slice %arg6[%dma_start3A_33, %sub3A_21, %dma_start3A_34] : memref<16x8x512xf32, #tpu.memory_space<vmem>> -> memref<8x1x512xf32, #tpu.memory_space<vmem>>
      %dma_start3A_36 = tpu.memref_squeeze %dma_start3A_35 : memref<8x1x512xf32, #tpu.memory_space<vmem>> -> memref<8x512xf32, #tpu.memory_space<vmem>>
      tpu.enqueue_dma source(%dma_start3A_36 : memref<8x512xf32, #tpu.memory_space<vmem>>) target(%dma_start3A_32 : memref<8x512xf32, #tpu.memory_space<hbm>>) target_semaphore(%run_scoped3A : memref<!tpu.dma_semaphore, #tpu.memory_space<semaphore_mem>>)
      %dma_wait3A = arith.constant 0 : i32
      %dma_wait3A_37 = arith.constant 0 : i32
      %dma_wait3A_38 = tpu.memref_slice %arg6[%dma_wait3A, %sub3A_21, %dma_wait3A_37] : memref<16x8x512xf32, #tpu.memory_space<vmem>> -> memref<8x1x512xf32, #tpu.memory_space<vmem>>
      %dma_wait3A_39 = tpu.memref_squeeze %dma_wait3A_38 : memref<8x1x512xf32, #tpu.memory_space<vmem>> -> memref<8x512xf32, #tpu.memory_space<vmem>>
      %dma_wait3A_40 = arith.constant 32 : i32
      %dma_wait3A_41 = arith.constant 0 : i32
      %dma_wait3A_42 = tpu.memref_slice %arg4[%add3A, %dma_wait3A_40, %dma_wait3A_41] : memref<32x40x512xf32, #tpu.memory_space<hbm>> -> memref<1x8x512xf32, #tpu.memory_space<hbm>>
      %dma_wait3A_43 = tpu.memref_squeeze %dma_wait3A_42 : memref<1x8x512xf32, #tpu.memory_space<hbm>> -> memref<8x512xf32, #tpu.memory_space<hbm>>
      %dma_wait3A_44 = arith.constant 32 : i32
      %dma_wait3A_45 = arith.constant 0 : i32
      %dma_wait3A_46 = tpu.memref_slice %arg4[%add3A, %dma_wait3A_44, %dma_wait3A_45] : memref<32x40x512xf32, #tpu.memory_space<hbm>> -> memref<1x8x512xf32, #tpu.memory_space<hbm>>
      %dma_wait3A_47 = tpu.memref_squeeze %dma_wait3A_46 : memref<1x8x512xf32, #tpu.memory_space<hbm>> -> memref<8x512xf32, #tpu.memory_space<hbm>>
      %dma_wait3A_48 = arith.constant 0 : i32
      %dma_wait3A_49 = arith.constant 0 : i32
      %dma_wait3A_50 = tpu.memref_slice %arg6[%dma_wait3A_48, %sub3A_21, %dma_wait3A_49] : memref<16x8x512xf32, #tpu.memory_space<vmem>> -> memref<8x1x512xf32, #tpu.memory_space<vmem>>
      %dma_wait3A_51 = tpu.memref_squeeze %dma_wait3A_50 : memref<8x1x512xf32, #tpu.memory_space<vmem>> -> memref<8x512xf32, #tpu.memory_space<vmem>>
      tpu.wait_dma2 semaphore(%run_scoped3A : memref<!tpu.dma_semaphore, #tpu.memory_space<semaphore_mem>>) src(%dma_wait3A_51 : memref<8x512xf32, #tpu.memory_space<vmem>>) dst(%dma_wait3A_47 : memref<8x512xf32, #tpu.memory_space<hbm>>)
      tpu.yield
    }) : () -> ()
    return
  }
}

module attributes {stable_mosaic.version = 14 : i64} {
  func.func @_tok_body(%arg0: i32, %arg1: memref<100x77xi32, #tpu.memory_space<vmem>>, %arg2: memref<1x100x77xi32, #tpu.memory_space<vmem>>) attributes {dimension_semantics = [#tpu.dimension_semantics<arbitrary>], iteration_bounds = array<i64: 32>, scalar_prefetch = 0 : i64, scratch_operands = 0 : i64, tpu.core_type = #tpu.core_type<tc>, window_params = [{pipeline_mode = #tpu.pipeline_mode<synchronous>, transform_indices = @transform_0, window_bounds = array<i64: 100, 77>}, {transform_indices = @transform_1, window_bounds = array<i64: 1, 100, 77>}]} {
    %get3A = arith.constant 0 : index
    %get3A_0 = arith.constant 0 : index
    %get3A_1 = vector.load %arg1[%get3A, %get3A_0] : memref<100x77xi32, #tpu.memory_space<vmem>>, vector<100x77xi32>
    %broadcast_in_dim3A = vector.shape_cast %get3A_1 : vector<100x77xi32> to vector<1x100x77xi32>
    %swap3A = arith.constant 0 : index
    %swap3A_2 = arith.constant 0 : index
    %swap3A_3 = arith.constant 0 : index
    %swap3A_4 = vector.load %arg2[%swap3A, %swap3A_2, %swap3A_3] : memref<1x100x77xi32, #tpu.memory_space<vmem>>, vector<1x100x77xi32>
    tpu.vector_store %arg2[%swap3A, %swap3A_2, %swap3A_3], %broadcast_in_dim3A {strides = array<i32>} : memref<1x100x77xi32, #tpu.memory_space<vmem>>, vector<1x100x77xi32>,
    return
  }
  func.func @transform_0(%arg0: i32) -> (i32, i32) {
    %c0_i32 = arith.constant 0 : i32
    %c0_i32_0 = arith.constant 0 : i32
    %c0_i32_1 = arith.constant 0 : i32
    return %c0_i32, %c0_i32_0 : i32, i32
  }
  func.func @transform_1(%arg0: i32) -> (i32, i32, i32) {
    %c0_i32 = arith.constant 0 : i32
    %c0_i32_0 = arith.constant 0 : i32
    %c0_i32_1 = arith.constant 0 : i32
    return %arg0, %c0_i32, %c0_i32_0 : i32, i32, i32
  }
}

module attributes {stable_mosaic.version = 14 : i64} {
  func.func @_build_body(%arg0: i32, %arg1: memref<100xi32, #tpu.memory_space<smem>>, %arg2: memref<2x1x512xf32, #tpu.memory_space<vmem>>, %arg3: memref<2x40x512xf32, #tpu.memory_space<vmem>>, %arg4: memref<36x32x512xf32, #tpu.memory_space<vmem>>, %arg5: memref<77x64x512xf32, #tpu.memory_space<vmem>>) attributes {dimension_semantics = [#tpu.dimension_semantics<arbitrary>], iteration_bounds = array<i64: 50>, scalar_prefetch = 1 : i64, scratch_operands = 0 : i64, tpu.core_type = #tpu.core_type<tc>, window_params = [{transform_indices = @transform_0, window_bounds = array<i64: 2, 1, 512>}, {transform_indices = @transform_1, window_bounds = array<i64: 2, 40, 512>}, {pipeline_mode = #tpu.pipeline_mode<synchronous>, transform_indices = @transform_2, window_bounds = array<i64: 36, 32, 512>}, {transform_indices = @transform_3, window_bounds = array<i64: 77, 64, 512>}]} {
    %iota3A = tpu.iota {dimensions = array<i32: 0>} : vector<77x512xi32>
    %mul3A = arith.constant 2 : i32
    %mul3A_0 = arith.muli %arg0, %mul3A : i32
    %add3A = arith.constant 0 : i32
    %add3A_1 = arith.addi %mul3A_0, %add3A : i32
    %get3A = arith.index_cast %add3A_1 : i32 to index
    %get3A_2 = memref.load %arg1[%get3A] : memref<100xi32, #tpu.memory_space<smem>>
    %get3A_3 = arith.constant 0 : index
    %get3A_4 = arith.constant 0 : index
    %get3A_5 = arith.constant 0 : index
    %get3A_6 = vector.load %arg3[%get3A_3, %get3A_4, %get3A_5] : memref<2x40x512xf32, #tpu.memory_space<vmem>>, vector<1x40x512xf32>
    %get3A_7 = vector.shape_cast %get3A_6 : vector<1x40x512xf32> to vector<40x512xf32>
    %get3A_8 = arith.constant 0 : index
    %get3A_9 = arith.constant 0 : index
    %get3A_10 = arith.constant 0 : index
    %get3A_11 = vector.load %arg2[%get3A_8, %get3A_9, %get3A_10] : memref<2x1x512xf32, #tpu.memory_space<vmem>>, vector<1x1x512xf32>
    %get3A_12 = vector.shape_cast %get3A_11 : vector<1x1x512xf32> to vector<1x512xf32>
    %slice3A = vector.extract_strided_slice %get3A_7 {offsets = [0, 0], sizes = [36, 512], strides = [1, 1]} : vector<40x512xf32> to vector<36x512xf32>
    %concatenate3A = tpu.concatenate %get3A_12, %get3A_7, %slice3A in 0 : vector<1x512xf32>, vector<40x512xf32>, vector<36x512xf32> -> vector<77x512xf32>
    %slice3A_13 = vector.extract_strided_slice %get3A_7 {offsets = [0, 0], sizes = [37, 512], strides = [1, 1]} : vector<40x512xf32> to vector<37x512xf32>
    %concatenate3A_14 = tpu.concatenate %slice3A_13, %get3A_7 in 0 : vector<37x512xf32>, vector<40x512xf32> -> vector<77x512xf32>
    %le3A = vector.broadcast %get3A_2 : i32 to vector<77x512xi32>
    %le3A_15 = arith.cmpi sle, %iota3A, %le3A : vector<77x512xi32>
    %select_n3A = arith.select %le3A_15, %concatenate3A, %concatenate3A_14 : vector<77x512xi1>, vector<77x512xf32>
    %broadcast_in_dim3A = vector.shape_cast %select_n3A : vector<77x512xf32> to vector<77x1x512xf32>
    %broadcast_in_dim3A_16 = vector.shape_cast %broadcast_in_dim3A : vector<77x1x512xf32> to vector<77x1x512xf32>
    %broadcast_in_dim3A_17 = vector.broadcast %broadcast_in_dim3A_16 : vector<77x1x512xf32> to vector<77x32x512xf32>
    %swap3A = arith.constant 0 : index
    %swap3A_18 = arith.constant 0 : index
    %swap3A_19 = arith.constant 0 : index
    %swap3A_20 = vector.load %arg5[%swap3A, %swap3A_18, %swap3A_19] : memref<77x64x512xf32, #tpu.memory_space<vmem>>, vector<77x32x512xf32>
    tpu.vector_store %arg5[%swap3A, %swap3A_18, %swap3A_19], %broadcast_in_dim3A_17 {strides = array<i32>} : memref<77x64x512xf32, #tpu.memory_space<vmem>>, vector<77x32x512xf32>,
    %get3A_21 = arith.constant 0 : index
    %get3A_22 = arith.constant 0 : index
    %get3A_23 = arith.constant 0 : index
    %get3A_24 = vector.load %arg4[%get3A_21, %get3A_22, %get3A_23] : memref<36x32x512xf32, #tpu.memory_space<vmem>>, vector<36x32x512xf32>
    %add3A_25 = arith.constant 1 : i32
    %add3A_26 = arith.addi %get3A_2, %add3A_25 : i32
    %swap3A_27 = arith.index_cast %add3A_26 : i32 to index
    %swap3A_28 = arith.constant 0 : index
    %swap3A_29 = arith.constant 0 : index
    %swap3A_30 = vector.load %arg5[%swap3A_27, %swap3A_28, %swap3A_29] : memref<77x64x512xf32, #tpu.memory_space<vmem>>, vector<36x32x512xf32>
    tpu.vector_store %arg5[%swap3A_27, %swap3A_28, %swap3A_29], %get3A_24 {strides = array<i32>} : memref<77x64x512xf32, #tpu.memory_space<vmem>>, vector<36x32x512xf32>,
    %mul3A_31 = arith.constant 2 : i32
    %mul3A_32 = arith.muli %arg0, %mul3A_31 : i32
    %add3A_33 = arith.constant 1 : i32
    %add3A_34 = arith.addi %mul3A_32, %add3A_33 : i32
    %get3A_35 = arith.index_cast %add3A_34 : i32 to index
    %get3A_36 = memref.load %arg1[%get3A_35] : memref<100xi32, #tpu.memory_space<smem>>
    %get3A_37 = arith.constant 1 : index
    %get3A_38 = arith.constant 0 : index
    %get3A_39 = arith.constant 0 : index
    %get3A_40 = vector.load %arg3[%get3A_37, %get3A_38, %get3A_39] : memref<2x40x512xf32, #tpu.memory_space<vmem>>, vector<1x40x512xf32>
    %get3A_41 = vector.shape_cast %get3A_40 : vector<1x40x512xf32> to vector<40x512xf32>
    %get3A_42 = arith.constant 1 : index
    %get3A_43 = arith.constant 0 : index
    %get3A_44 = arith.constant 0 : index
    %get3A_45 = vector.load %arg2[%get3A_42, %get3A_43, %get3A_44] : memref<2x1x512xf32, #tpu.memory_space<vmem>>, vector<1x1x512xf32>
    %get3A_46 = vector.shape_cast %get3A_45 : vector<1x1x512xf32> to vector<1x512xf32>
    %slice3A_47 = vector.extract_strided_slice %get3A_41 {offsets = [0, 0], sizes = [36, 512], strides = [1, 1]} : vector<40x512xf32> to vector<36x512xf32>
    %concatenate3A_48 = tpu.concatenate %get3A_46, %get3A_41, %slice3A_47 in 0 : vector<1x512xf32>, vector<40x512xf32>, vector<36x512xf32> -> vector<77x512xf32>
    %slice3A_49 = vector.extract_strided_slice %get3A_41 {offsets = [0, 0], sizes = [37, 512], strides = [1, 1]} : vector<40x512xf32> to vector<37x512xf32>
    %concatenate3A_50 = tpu.concatenate %slice3A_49, %get3A_41 in 0 : vector<37x512xf32>, vector<40x512xf32> -> vector<77x512xf32>
    %le3A_51 = vector.broadcast %get3A_36 : i32 to vector<77x512xi32>
    %le3A_52 = arith.cmpi sle, %iota3A, %le3A_51 : vector<77x512xi32>
    %select_n3A_53 = arith.select %le3A_52, %concatenate3A_48, %concatenate3A_50 : vector<77x512xi1>, vector<77x512xf32>
    %broadcast_in_dim3A_54 = vector.shape_cast %select_n3A_53 : vector<77x512xf32> to vector<77x1x512xf32>
    %broadcast_in_dim3A_55 = vector.shape_cast %broadcast_in_dim3A_54 : vector<77x1x512xf32> to vector<77x1x512xf32>
    %broadcast_in_dim3A_56 = vector.broadcast %broadcast_in_dim3A_55 : vector<77x1x512xf32> to vector<77x32x512xf32>
    %swap3A_57 = arith.constant 0 : index
    %swap3A_58 = arith.constant 32 : index
    %swap3A_59 = arith.constant 0 : index
    %swap3A_60 = vector.load %arg5[%swap3A_57, %swap3A_58, %swap3A_59] : memref<77x64x512xf32, #tpu.memory_space<vmem>>, vector<77x32x512xf32>
    tpu.vector_store %arg5[%swap3A_57, %swap3A_58, %swap3A_59], %broadcast_in_dim3A_56 {strides = array<i32>} : memref<77x64x512xf32, #tpu.memory_space<vmem>>, vector<77x32x512xf32>,
    %get3A_61 = arith.constant 0 : index
    %get3A_62 = arith.constant 0 : index
    %get3A_63 = arith.constant 0 : index
    %get3A_64 = vector.load %arg4[%get3A_61, %get3A_62, %get3A_63] : memref<36x32x512xf32, #tpu.memory_space<vmem>>, vector<36x32x512xf32>
    %add3A_65 = arith.constant 1 : i32
    %add3A_66 = arith.addi %get3A_36, %add3A_65 : i32
    %swap3A_67 = arith.index_cast %add3A_66 : i32 to index
    %swap3A_68 = arith.constant 32 : index
    %swap3A_69 = arith.constant 0 : index
    %swap3A_70 = vector.load %arg5[%swap3A_67, %swap3A_68, %swap3A_69] : memref<77x64x512xf32, #tpu.memory_space<vmem>>, vector<36x32x512xf32>
    tpu.vector_store %arg5[%swap3A_67, %swap3A_68, %swap3A_69], %get3A_64 {strides = array<i32>} : memref<77x64x512xf32, #tpu.memory_space<vmem>>, vector<36x32x512xf32>,
    return
  }
  func.func @transform_0(%arg0: i32, %arg1: memref<100xi32, #tpu.memory_space<smem>>) -> (i32, i32, i32) {
    %c0_i32 = arith.constant 0 : i32
    %c0_i32_0 = arith.constant 0 : i32
    %c0_i32_1 = arith.constant 0 : i32
    return %arg0, %c0_i32, %c0_i32_0 : i32, i32, i32
  }
  func.func @transform_1(%arg0: i32, %arg1: memref<100xi32, #tpu.memory_space<smem>>) -> (i32, i32, i32) {
    %c0_i32 = arith.constant 0 : i32
    %c0_i32_0 = arith.constant 0 : i32
    %c0_i32_1 = arith.constant 0 : i32
    return %arg0, %c0_i32, %c0_i32_0 : i32, i32, i32
  }
  func.func @transform_2(%arg0: i32, %arg1: memref<100xi32, #tpu.memory_space<smem>>) -> (i32, i32, i32) {
    %c0_i32 = arith.constant 0 : i32
    %c0_i32_0 = arith.constant 0 : i32
    %c0_i32_1 = arith.constant 0 : i32
    %c0_i32_2 = arith.constant 0 : i32
    return %c0_i32, %c0_i32_0, %c0_i32_1 : i32, i32, i32
  }
  func.func @transform_3(%arg0: i32, %arg1: memref<100xi32, #tpu.memory_space<smem>>) -> (i32, i32, i32) {
    %c0_i32 = arith.constant 0 : i32
    %c0_i32_0 = arith.constant 0 : i32
    %c0_i32_1 = arith.constant 0 : i32
    return %c0_i32, %arg0, %c0_i32_0 : i32, i32, i32
  }
}

</mosaic_0001>

<sc_bundles>
// kernel: kernel.5.cloned.1.call-start
scs
__scs_entry_jumppad:
0x0: {  	(pc) =	sbr.rel $0x88, $3  }
0x1: {  	(tag) =	ssettag $0x0;
	lr =	simm.s32 $0x1  }
0x2: {  	[smem:$0x3F9B] =	sst lr;
	_ =	strace $0xD0000000  }
0x3: {  	_ = 	snop  }
0x4: {  	_ = 	snop  }
0x5: {  	_ = 	snop  }
0x6: {  	_ = 	snop  }
0x7: {  	_ = 	snop  }
__scs_overlays_trampoline_lowered:
0x8: {  	[smem:$0x3FAA] =	sst s0  }
0x9: {  	[smem:$0x3FAB] =	sst s1  }
0xa: {  	[smem:$0x3FAC] =	sst s2  }
0xb: {  	[smem:$0x3FAD] =	sst s3  }
0xc: {  	[smem:$0x3FAE] =	sst s4  }
0xd: {  	[smem:$0x3FAF] =	sst s5  }
0xe: {  	[smem:$0x3FB0] =	sst s6  }
0xf: {  	[smem:$0x3FB1] =	sst s7  }
0x10: {  	[smem:$0x3FB2] =	sst s8  }
0x11: {  	[smem:$0x3FB3] =	sst s9;
	s0 =	simm.s32 @!p0 $0x0  }
0x12: {  	s1 =	sld [smem:$0x3F99];
	s0 =	simm.s32 @p0 $0x1  }
0x13: {  	[smem:$0x3FB4] =	sst s0;
	s0 =	simm.s32 @!p1 $0x0  }
0x14: {  	s2 =	sld [smem:$0x3F98];
	s0 =	simm.s32 @p1 $0x1  }
0x15: {  	[smem:$0x3FB5] =	sst s0;
	s0 =	simm.s32 @!p2 $0x0  }
0x16: {  	s3 =	sld [smem:$0x3FDB];
	s0 =	simm.s32 @p2 $0x1  }
0x17: {  	s4 =	simm.s32 $0x1BF5;
	[smem:$0x3FB7] =	sst s0  }
0x18: {  	s0 =	sld [smem:$0x3F9A];
	_ =	swait.ge [sflag:s4], $0x0  }
0x19: {  	s7 =	sld [smem:$0x3F9B]  }
0x1a: {  	s8 =	sadd.s32 $0xFFFFE003, lr  }
0x1b: {  	s9 =	sadd.s32 $0xFFFFFEF7, lr;
	s5 =	simm.s32 $0xFFFFFFFF;
	p2 =	slt.u32 s8, $0xFFFFF086  }
0x1c: {  	p1 =	slt.u32 s9, $0xF7A;
	s5 =	simm.s32 @!p2 $0x0  }
0x1d: {  	s5 =	simm.s32 @p1 $0x1;
	p0 =	seq.s32 s7, s2  }
0x1e: {  	s7 =	smul.u32 @!p0 $0xF7A, s2;
	p2 =	seq.s32 @!p0 s5, $0x0  }
0x1f: {  	s9 =	smul.u32 $0xF7A, s1;
	s8 =	simm.s32 @!p0 $0x1BF5;
	p2 =	por !p2, p0  }
0x20: {  	[sflag:s8] =	ssyncset.s32 @!p0 $0xFFFFF086;
	s6 =	sadd.s32 @!p0 s3, s7;
	s7 =	simm.s32 @!p0 $0x108  }
0x21: {  	s3 =	sadd.s32 s3, s9;
	s6 =	sadd.s32 @!p0 $0x88, s6;
	s7 =	simm.s32 @p2 $0x1082  }
0x22: {  	[simem:s7], [sflag:s8] =	dma.local @!p0 [hbm:s6], $0xF7A  }
0x23: {  	s9 =	sor.u32 $0xD0000000, s2;
	s6 =	simm.s32 $0x108;
	_ =	swait.ge @!p0 [sflag:s8], $0x0  }
0x24: {  	s3 =	sadd.s32 $0x88, s3;
	s6 =	simm.s32 @!p1 $0x1082;
	[sflag:s4] =	ssyncset.s32 $0xFFFFF086  }
0x25: {  	[simem:s6], [sflag:s4] =	dma.local [hbm:s3], $0xF7A  }
0x26: {  	[smem:$0x3F9B] =	sst s1;
	(tag) =	ssettag s2;
	_ =	strace s9  }
0x27: {  	s1 =	sld [smem:$0x3FAB]  }
0x28: {  	s2 =	sld [smem:$0x3FAC]  }
0x29: {  	s4 =	sld [smem:$0x3FAE]  }
0x2a: {  	p0 =	seq.s32 s5, $0x0;
	s5 =	sld [smem:$0x3FAF]  }
0x2b: {  	s6 =	sld [smem:$0x3FB0]  }
0x2c: {  	s7 =	sld [smem:$0x3FB1]  }
0x2d: {  	s3 =	simm.s32 $0x108;
	s8 =	sld [smem:$0x3FB2]  }
0x2e: {  	s3 =	simm.s32 @!p0 $0x1082;
	s9 =	sld [smem:$0x3FB3]  }
0x2f: {  	lr =	sadd.s32 s0, s3;
	s0 =	sld [smem:$0x3FAA]  }
0x30: {  	s3 =	sld [smem:$0x3FAD]  }
0x31: {  	[smem:$0x3FB6] =	sst s10  }
0x32: {  	s10 =	sld [smem:$0x3FB4];
	_ =	sdelay $0x3  }
0x33: {  	p0 =	seq.s32 s10, $0x1;
	s10 =	sld [smem:$0x3FB6];
	_ =	sdelay $0x3  }
0x34: {  	[smem:$0x3FB6] =	sst s10  }
0x35: {  	s10 =	sld [smem:$0x3FB5];
	_ =	sdelay $0x3  }
0x36: {  	p1 =	seq.s32 s10, $0x1;
	s10 =	sld [smem:$0x3FB6];
	_ =	sdelay $0x3  }
0x37: {  	[smem:$0x3FB6] =	sst s10  }
0x38: {  	s10 =	sld [smem:$0x3FB7]  }
0x39: {  	_ = 	snop;
	(pc) =	sbr.ind lr, $3  }
0x3a: {  	_ = 	snop  }
0x3b: {  	_ = 	snop  }
0x3c: {  	p2 =	seq.s32 s10, $0x1;
	s10 =	sld [smem:$0x3FB6]  }
0x3d: {  	_ =	shalt  }
0x3e: {  	_ =	shalt  }
0x3f: {  	_ =	shalt  }
0x40: {  	_ =	shalt  }
0x41: {  	_ =	shalt  }
0x42: {  	_ =	shalt  }
0x43: {  	_ =	shalt  }
0x44: {  	_ =	shalt  }
0x45: {  	_ =	shalt  }
0x46: {  	_ =	shalt  }
0x47: {  	_ =	shalt  }
0x48: {  	_ =	shalt  }
0x49: {  	_ =	shalt  }
0x4a: {  	_ =	shalt  }
0x4b: {  	_ =	shalt  }
0x4c: {  	_ =	shalt  }
0x4d: {  	_ =	shalt  }
0x4e: {  	_ =	shalt  }
0x4f: {  	_ =	shalt  }
0x50: {  	_ =	shalt  }
0x51: {  	_ =	shalt  }
0x52: {  	_ =	shalt  }
0x53: {  	_ =	shalt  }
0x54: {  	_ =	shalt  }
0x55: {  	_ =	shalt  }
0x56: {  	_ =	shalt  }
0x57: {  	_ =	shalt  }
0x58: {  	_ =	shalt  }
0x59: {  	_ =	shalt  }
0x5a: {  	_ =	shalt  }
0x5b: {  	_ =	shalt  }
0x5c: {  	_ =	shalt  }
0x5d: {  	_ =	shalt  }
0x5e: {  	_ =	shalt  }
0x5f: {  	_ =	shalt  }
0x60: {  	_ =	shalt  }
0x61: {  	_ =	shalt  }
0x62: {  	_ =	shalt  }
0x63: {  	_ =	shalt  }
0x64: {  	_ =	shalt  }
0x65: {  	_ =	shalt  }
0x66: {  	_ =	shalt  }
0x67: {  	_ =	shalt  }
0x68: {  	_ =	shalt  }
0x69: {  	_ =	shalt  }
0x6a: {  	_ =	shalt  }
0x6b: {  	_ =	shalt  }
0x6c: {  	_ =	shalt  }
0x6d: {  	_ =	shalt  }
0x6e: {  	_ =	shalt  }
0x6f: {  	_ =	shalt  }
0x70: {  	_ =	shalt  }
0x71: {  	_ =	shalt  }
0x72: {  	_ =	shalt  }
0x73: {  	_ =	shalt  }
0x74: {  	_ =	shalt  }
0x75: {  	_ =	shalt  }
0x76: {  	_ =	shalt  }
0x77: {  	_ =	shalt  }
0x78: {  	_ =	shalt  }
0x79: {  	_ =	shalt  }
0x7a: {  	_ =	shalt  }
0x7b: {  	_ =	shalt  }
0x7c: {  	_ =	shalt  }
0x7d: {  	_ =	shalt  }
0x7e: {  	_ =	shalt  }
0x7f: {  	_ =	shalt  }
0x80: {  	_ =	shalt  }
0x81: {  	_ =	shalt  }
0x82: {  	_ =	shalt  }
0x83: {  	_ =	shalt  }
0x84: {  	_ =	shalt  }
0x85: {  	_ =	shalt  }
0x86: {  	_ =	shalt  }
0x87: {  	_ =	shalt  }
.Lfunc_end0:
.L_simem_size_0:
called_computation_lowered:
.L_overlay_start_0:
0x88: {  	s2 =	sld [smem:$0x3FD9]  }
0x89: {  	s3 =	sld [smem:$0x3FFE];
	_ =	sdelay $0x1  }
0x8a: {  	s1 =	srdreg.scid  }
0x8b: {  	s0 =	sand.u32 $0x1, s1  }
0x8c: {  	s15 =	sshll.u32 s0, $0xA;
	s2 =	sadd.s32 s3, s2  }
0x8d: {  	s2 =	sadd.s32 s2, s15  }
0x8e: {  	[smem:$0x3FC2] =	sst s2  }
0x8f: {  	_ = 	snop  }
0x90: {  	s2 =	sld [smem:$0x3FD0];
	_ =	sdelay $0x1  }
0x91: {  	s16 =	sld [smem:$0x3FC9]  }
0x92: {  	s5 =	simm.s32 $0xA;
	s6 =	simm.s32 $0x10;
	s4 =	sld [smem:$0x3FC8]  }
0x93: {  	[smem:s6], [sflag:s5] =	dma.local [hbm:s2], $0x1  }
0x94: {  	_ =	swait.eq [sflag:s5], $0x1  }
0x95: {  	[sflag:s5] =	ssyncset.done $0x0  }
0x96: {  	[sflag:s5] =	ssyncadd.s32 $0xFFFFFFFF  }
0x97: {  	s17 =	sld [smem:$0x10];
	(tm) =	ssettm $0x1  }
0x98: {  	s18 =	sld [smem:$0x3FFB];
	_ =	sdelay $0x3  }
0x99: {  	_ =	strace s18  }
0x9a: {  	s5 =	sld [smem:$0x3FFC];
	_ =	sdelay $0x3  }
0x9b: {  	_ =	strace s5  }
0x9c: {  	s5 =	sld [smem:$0x3FFD];
	_ =	sdelay $0x3  }
0x9d: {  	_ =	strace s5  }
0x9e: {  	_ =	strace $0x8FFFFFFF  }
0x9f: {  	s19 =	sld [smem:$0x3FDB];
	_ =	sdelay $0x1  }
0xa0: {  	s20 =	simm.s32 $_scs_section_size  }
0xa1: {  	s7 =	simm.s32 $_size__tile_overlayer_lowered;
	s8 =	simm.s32 $_tile_overlayer_lowered  }
0xa2: {  	s23 =	simm.s32 $0x1BFF;
	s22 =	sshll.u32 s8, $0x1;
	s5 =	sadd.s32 s20, s19  }
0xa3: {  	s9 =	simm.s32 $0x0;
	s21 =	sshll.u32 s7, $0x1;
	s7 =	sadd.s32 s22, s5  }
0xa4: {  	[timem:s9], [sflag:s23] =	dma.local [hbm:s7], s21  }
0xa5: {  	_ =	swait.ge [sflag:s23], s21  }
0xa6: {  	s6 =	ssub.s32 $0x0, s21;
	[sflag:s23] =	ssyncset.done $0x0  }
0xa7: {  	[sflag:s23] =	ssyncadd.s32 s6;
	_ =	sdelay $0x1  }
0xa8: {  	s24 =	simm.s32 $0x1B8B  }
0xa9: {  	_ =	swait.ge [sflag:s24], $0x1  }
0xaa: {  	[sflag:s24] =	ssyncset.done $0x0  }
0xab: {  	s25 =	simm.s32 $0x1B8E;
	[sflag:s24] =	ssyncadd.s32 $0xFFFFFFFF  }
0xac: {  	s26 =	simm.s32 $execute0_lowered;
	[smem:$0x3FD2] =	sst s25  }
0xad: {  	s6 =	sshll.u32 s26, $0x1;
	_ =	strace $0x80000046;
	[dreg:$0x1] =	wrdreg $0xFFFFFFFF  }
0xae: {  	s28 =	simm.s32 $_size_execute0_lowered;
	s5 =	sadd.s32 s5, s6;
	[dreg:$0x0] =	wrdreg $0x0  }
0xaf: {  	s6 =	sshll.u32 s28, $0x1;
	[dreg:$0x2] =	wrdreg s5  }
0xb0: {  	[dreg:$0x3] =	wrdreg s6  }
0xb1: {  	[dreg:$0x4] =	wrdreg $0xC0  }
0xb2: {  	_ =	task [dreg:s9], $0x5FFFF  }
0xb3: {  	[dreg:$0x1] =	wrdreg $0xFFFFFFFF  }
0xb4: {  	[dreg:$0x0] =	wrdreg $0x60  }
0xb5: {  	[dreg:$0x2] =	wrdreg s16  }
0xb6: {  	[dreg:$0x3] =	wrdreg s4  }
0xb7: {  	[dreg:$0x4] =	wrdreg s17  }
0xb8: {  	[dreg:$0x5] =	wrdreg $0x9  }
0xb9: {  	_ =	task.clear_ibuf [dreg:s9], $0x6FFFF;
	_ =	strace $0x90000046  }
0xba: {  	s29 =	simm.s32 $0x9;
	_ =	strace $0x80000048  }
0xbb: {  	_ =	swait.ge [sflag:s29], $0x1  }
0xbc: {  	[sflag:s29] =	ssyncadd.s32 $0xFFFFFFFF  }
0xbd: {  	_ =	strace $0x90000048  }
0xbe: {  	_ =	sfence  }
0xbf: {  	s30 =	sld [smem:$0x0];
	_ =	sdelay $0x2  }
0xc0: {  	s31 =	sshll.u32 s1, $0xD;
	s1 =	sshrl.u32 s1, $0x2  }
0xc1: {  	s3 =	sand.u32 $0x4000, s31;
	s1 =	sadd.s32 s1, s30  }
0xc2: {  	s0 =	sor.u32 s3, s0;
	s1 =	sshll.u32 s1, $0x11  }
0xc3: {  	s0 =	sor.u32 s1, s0  }
0xc4: {  	s0 =	sadd.s32 $0x8F2B, s0  }
0xc5: {  	[sflag:s0] =	ssyncadd.remote.s32 $0x1  }
0xc6: {  	_ =	sfence.sel $0xFFFF  }
0xc7: {  	[dreg:$0x0] =	wrdreg $0xFFFFFFFF;
	(pc) =	sbr.abs _section_cstart, $3  }
0xc8: {  	[dreg:$0x1] =	wrdreg $0xFFFFFFFF  }
0xc9: {  	_ =	task.clear_ibuf [dreg:s9], $0x2FFFF;
	_ =	strace $0x9FFFFFFF  }
0xca: {  	(tm) =	ssettm $0x7FFFFFFF  }
0xcb: {  	_ =	shalt  }
tec
execute0_lowered:
.L_overlay_start_1:
0x0: {  	(tag) =	ssettag $0x1  }
0x1: {  	s1 =	rddreg [dreg:$0x0]  }
0x2: {  	s2 =	srdreg.scid;
	s3 =	rddreg [dreg:$0x1]  }
0x3: {  	s0 =	stileid.u32;
	s7 =	rddreg [dreg:$0x2];
	s5 =	simm.s32 $0x0  }
0x4: {  	s10 =	simm.s32 $0x1;
	s6 =	sand.u32 $0x1, s2;
	s31 =	sshll.u32 s0, $0x1  }
0x5: {  	s11 =	simm.s32 $0x1000;
	s12 =	simm.s32 $0x7D000;
	s4 =	sor.u32 s6, s31  }
0x6: {  	s13 =	simm.s32 $0x80;
	s6 =	ssub.s32 $0x2, s6;
	s8 =	smul.u32 $0x5000, s4  }
0x7: {  	s15 =	simm.s32 $0x0;
	s2 =	rddreg [dreg:$0x3];
	s9 =	sshrl.u32 s6, $0x1  }
0x8: {  	[smem:$0x7FF] =	sst s5;
	s9 =	ssub.s32 s6, s9;
	s8 =	sshrl.u32 s8, $0x3  }
0x9: {  	_ =	strace $0x80000047;
	s9 =	smax.u32 s9, $0x1;
	s6 =	sadd.s32 s7, s8  }
0xa: {  	s7 =	sadd.s32 $0x400, s6;
	s8 =	sadd.s32 $0x800, s6;
	s14 =	sadd.s32 $0x200, s6  }
.LBB2_1:
0xb: {  	[tilespmem:s5], [sflag:$0x1] =	stream.linear.gather [hbm4b:s1+s5], $0x20, $0x38;
	[tilespmem:$0x10080] =	vst v63  }
0xc: {  	_ =	swait.ge [sflag:s10], $0x20  }
0xd: {  	[sflag:s10] =	ssyncset.done $0x0  }
0xe: {  	[sflag:s10] =	ssyncadd.s32 $0xFFFFFFE0  }
0xf: {  	v0 =	vld [tilespmem:s4+$0x0];
	_ =	sdelay $0x4  }
0x10: {  	(v2sf) =	vpush v0, $0x0;
	_ =	sdelay $0xe  }
0x11: {  	s16 =	spop (v2sf)  }
0x12: {  	s18 =	sand.u32 $0x7, s16  }
0x13: {  	s17 =	sshra.s32 s16, $0x1F;
	p0 =	slt.s32 s16, $0x1;
	p1 =	sne.s32 s18, $0x0  }
0x14: {  	s17 =	sshrl.u32 s17, $0x1D;
	p0 =	por !p0, !p1  }
0x15: {  	s19 =	simm.s32 $0x1;
	s17 =	sadd.s32 s17, s16;
	p0 =	por !p0, !p0  }
0x16: {  	s17 =	sshrl.u32 s17, $0x3;
	s19 =	simm.s32 @!p0 $0x0  }
0x17: {  	s17 =	ssub.s32 s17, s19  }
0x18: {  	s16 =	sshll.u32 s16, $0x9;
	s17 =	sshll.u32 s17, $0xC  }
0x19: {  	s30 =	sshrl.u32 s17, $0x3;
	s16 =	ssub.s32 s16, s17  }
0x1a: {  	s19 =	sadd.s32 s3, s30;
	s16 =	sshll.u32 s16, $0x2  }
0x1b: {  	[tilespmem:s13], [sflag:$0x1] =	stream.strided.gather [hbm4b:s19+s11], $0x10000, s12, s11, $0x38;
	[tilespmem:$0x10080] =	vst v63  }
0x1c: {  	s18 =	sshll.u32 s18, $0x9;
	s16 =	sand.u32 $0xFFFFC000, s16  }
0x1d: {  	s16 =	sor.u32 s18, s16  }
0x1e: {  	_ =	swait.ge [sflag:s10], $0x10000;
	s16 =	sshra.s32 s16, $0x2  }
0x1f: {  	[sflag:s10] =	ssyncset.done $0x0;
	s16 =	sadd.s32 $0x80, s16  }
0x20: {  	[sflag:s10] =	ssyncadd.s32 $0xFFFF0000;
	s18 =	sadd.s32 $0x0, s16  }
0x21: {  	[hbm4b:s6+s5] =	stream.linear.scatter [tilespmem:s18], [sflag:$0x1], $0x80, $0x38;
	[tilespmem:$0x10080] =	vst v63  }
0x22: {  	s20 =	sadd.s32 $0x10, s6;
	s31 =	sadd.s32 $0x1000, s18  }
0x23: {  	[hbm4b:s20+s5] =	stream.linear.scatter [tilespmem:s31], [sflag:$0x1], $0x80, $0x38;
	[tilespmem:$0x10080] =	vst v63  }
0x24: {  	s22 =	sadd.s32 $0x20, s6;
	s24 =	sadd.s32 $0x30, s6;
	s21 =	sadd.s32 $0x2000, s18  }
0x25: {  	[hbm4b:s22+s5] =	stream.linear.scatter [tilespmem:s21], [sflag:$0x1], $0x80, $0x38;
	[tilespmem:$0x10080] =	vst v63  }
0x26: {  	s26 =	sadd.s32 $0x40, s6;
	s29 =	sadd.s32 $0x50, s6;
	s23 =	sadd.s32 $0x3000, s18  }
0x27: {  	[hbm4b:s24+s5] =	stream.linear.scatter [tilespmem:s23], [sflag:$0x1], $0x80, $0x38;
	[tilespmem:$0x10080] =	vst v63  }
0x28: {  	s19 =	simm.s32 $0x400;
	s25 =	sadd.s32 $0x4000, s18;
	s28 =	sadd.s32 $0x5000, s18  }
0x29: {  	[hbm4b:s26+s5] =	stream.linear.scatter [tilespmem:s25], [sflag:$0x1], $0x80, $0x38;
	[tilespmem:$0x10080] =	vst v63  }
0x2a: {  	s30 =	sadd.s32 $0x6000, s18;
	s31 =	sadd.s32 $0x60, s6;
	s20 =	simm.s32 $0x2000  }
0x2b: {  	[hbm4b:s29+s5] =	stream.linear.scatter [tilespmem:s28], [sflag:$0x1], $0x80, $0x38;
	[tilespmem:$0x10080] =	vst v63  }
0x2c: {  	s21 =	sadd.s32 $0x7000, s18;
	s22 =	sadd.s32 $0x70, s6;
	s18 =	sadd.s32 $0x80, s6  }
0x2d: {  	[hbm4b:s31+s5] =	stream.linear.scatter [tilespmem:s30], [sflag:$0x1], $0x80, $0x38;
	[tilespmem:$0x10080] =	vst v63  }
.LBB2_2:
0x2e: {  	[hbm4b:s22+s5] =	stream.linear.scatter [tilespmem:s21], [sflag:$0x1], $0x80, $0x38;
	[tilespmem:$0x10080] =	vst v63  }
0x2f: {  	s21 =	smov.u32 s20  }
0x30: {  	s23 =	sadd.s32 $0x1000, s20;
	s22 =	sadd.s32 s19, s16;
	s19 =	sshra.s32 s21, $0x2  }
0x31: {  	[hbm4b:s18+s5] =	stream.linear.scatter [tilespmem:s22], [sflag:$0x1], $0x80, $0x38;
	[tilespmem:$0x10080] =	vst v63  }
0x32: {  	p0 =	sne.s32 s20, $0x3000;
	s20 =	sadd.s32 $0x1000, s22;
	s21 =	sadd.s32 $0x10, s18  }
0x33: {  	[hbm4b:s21+s5] =	stream.linear.scatter [tilespmem:s20], [sflag:$0x1], $0x80, $0x38;
	[tilespmem:$0x10080] =	vst v63  }
0x34: {  	s20 =	sadd.s32 $0x2000, s22;
	s21 =	sadd.s32 $0x20, s18  }
0x35: {  	[hbm4b:s21+s5] =	stream.linear.scatter [tilespmem:s20], [sflag:$0x1], $0x80, $0x38;
	[tilespmem:$0x10080] =	vst v63  }
0x36: {  	s20 =	sadd.s32 $0x3000, s22;
	s21 =	sadd.s32 $0x30, s18  }
0x37: {  	[hbm4b:s21+s5] =	stream.linear.scatter [tilespmem:s20], [sflag:$0x1], $0x80, $0x38;
	[tilespmem:$0x10080] =	vst v63  }
0x38: {  	s20 =	sadd.s32 $0x4000, s22;
	s21 =	sadd.s32 $0x40, s18  }
0x39: {  	[hbm4b:s21+s5] =	stream.linear.scatter [tilespmem:s20], [sflag:$0x1], $0x80, $0x38;
	[tilespmem:$0x10080] =	vst v63  }
0x3a: {  	s20 =	sadd.s32 $0x5000, s22;
	s21 =	sadd.s32 $0x50, s18  }
0x3b: {  	[hbm4b:s21+s5] =	stream.linear.scatter [tilespmem:s20], [sflag:$0x1], $0x80, $0x38;
	[tilespmem:$0x10080] =	vst v63  }
.Ltmp0:
0x3c: {  	_ = 	snop;
	(pc) =	sbr.rel @p0 .LBB2_2-.Ltmp0, $4  }
0x3d: {  	s20 =	sadd.s32 $0x6000, s22;
	s21 =	sadd.s32 $0x60, s18  }
0x3e: {  	[hbm4b:s21+s5] =	stream.linear.scatter [tilespmem:s20], [sflag:$0x1], $0x80, $0x38;
	[tilespmem:$0x10080] =	vst v63  }
0x3f: {  	s21 =	sadd.s32 $0x7000, s22  }
0x40: {  	s22 =	sadd.s32 $0x70, s18;
	s18 =	sadd.s32 $0x80, s18;
	s20 =	smov.u32 s23  }
0x41: {  	[hbm4b:s22+s5] =	stream.linear.scatter [tilespmem:s21], [sflag:$0x1], $0x80, $0x38;
	[tilespmem:$0x10080] =	vst v63  }
0x42: {  	s19 =	sadd.s32 s19, s16  }
0x43: {  	[hbm4b:s18+s5] =	stream.linear.scatter [tilespmem:s19], [sflag:$0x1], $0x80, $0x38;
	[tilespmem:$0x10080] =	vst v63  }
0x44: {  	s26 =	sadd.s32 $0x10, s18;
	s20 =	sadd.s32 $0x1000, s19  }
0x45: {  	[hbm4b:s26+s5] =	stream.linear.scatter [tilespmem:s20], [sflag:$0x1], $0x80, $0x38;
	[tilespmem:$0x10080] =	vst v63  }
0x46: {  	s29 =	sadd.s32 $0x20, s18;
	s28 =	sadd.s32 $0x2000, s19  }
0x47: {  	[hbm4b:s29+s5] =	stream.linear.scatter [tilespmem:s28], [sflag:$0x1], $0x80, $0x38;
	[tilespmem:$0x10080] =	vst v63  }
0x48: {  	s31 =	sadd.s32 $0x30, s18;
	s30 =	sadd.s32 $0x3000, s19  }
0x49: {  	[hbm4b:s31+s5] =	stream.linear.scatter [tilespmem:s30], [sflag:$0x1], $0x80, $0x38;
	[tilespmem:$0x10080] =	vst v63  }
0x4a: {  	s22 =	sadd.s32 $0x40, s18;
	s21 =	sadd.s32 $0x4000, s19  }
0x4b: {  	[hbm4b:s22+s5] =	stream.linear.scatter [tilespmem:s21], [sflag:$0x1], $0x80, $0x38;
	[tilespmem:$0x10080] =	vst v63  }
0x4c: {  	s24 =	sadd.s32 $0x50, s18;
	s23 =	sadd.s32 $0x5000, s19  }
0x4d: {  	[hbm4b:s24+s5] =	stream.linear.scatter [tilespmem:s23], [sflag:$0x1], $0x80, $0x38;
	[tilespmem:$0x10080] =	vst v63  }
0x4e: {  	s25 =	sadd.s32 $0x6000, s19;
	s26 =	sadd.s32 $0x60, s18  }
0x4f: {  	[hbm4b:s26+s5] =	stream.linear.scatter [tilespmem:s25], [sflag:$0x1], $0x80, $0x38;
	[tilespmem:$0x10080] =	vst v63  }
0x50: {  	s19 =	sadd.s32 $0x7000, s19;
	s28 =	sadd.s32 $0x70, s18;
	s18 =	sadd.s32 $0x0, s16  }
0x51: {  	[hbm4b:s28+s5] =	stream.linear.scatter [tilespmem:s19], [sflag:$0x1], $0x80, $0x38;
	[tilespmem:$0x10080] =	vst v63  }
0x52: {  	s29 =	sadd.s32 $0x8000, s18  }
0x53: {  	[hbm4b:s14+s5] =	stream.linear.scatter [tilespmem:s29], [sflag:$0x1], $0x80, $0x38;
	[tilespmem:$0x10080] =	vst v63  }
0x54: {  	s30 =	sadd.s32 $0x9000, s18;
	s31 =	sadd.s32 $0x10, s14  }
0x55: {  	[hbm4b:s31+s5] =	stream.linear.scatter [tilespmem:s30], [sflag:$0x1], $0x80, $0x38;
	[tilespmem:$0x10080] =	vst v63  }
0x56: {  	s20 =	simm.s32 $0x2000;
	s21 =	sadd.s32 $0xA000, s18;
	s22 =	sadd.s32 $0x20, s14  }
0x57: {  	[hbm4b:s22+s5] =	stream.linear.scatter [tilespmem:s21], [sflag:$0x1], $0x80, $0x38;
	[tilespmem:$0x10080] =	vst v63  }
0x58: {  	s23 =	sadd.s32 $0xB000, s18;
	s24 =	sadd.s32 $0x30, s14;
	s25 =	sadd.s32 $0xC000, s18  }
0x59: {  	[hbm4b:s24+s5] =	stream.linear.scatter [tilespmem:s23], [sflag:$0x1], $0x80, $0x38;
	[tilespmem:$0x10080] =	vst v63  }
0x5a: {  	s26 =	sadd.s32 $0x40, s14;
	s28 =	sadd.s32 $0xD000, s18;
	s19 =	simm.s32 $0x400  }
0x5b: {  	[hbm4b:s26+s5] =	stream.linear.scatter [tilespmem:s25], [sflag:$0x1], $0x80, $0x38;
	[tilespmem:$0x10080] =	vst v63  }
0x5c: {  	s29 =	sadd.s32 $0x50, s14;
	s30 =	sadd.s32 $0xE000, s18;
	s31 =	sadd.s32 $0x60, s14  }
0x5d: {  	[hbm4b:s29+s5] =	stream.linear.scatter [tilespmem:s28], [sflag:$0x1], $0x80, $0x38;
	[tilespmem:$0x10080] =	vst v63  }
0x5e: {  	s21 =	sadd.s32 $0xF000, s18;
	s22 =	sadd.s32 $0x70, s14;
	s18 =	sadd.s32 $0x80, s14  }
0x5f: {  	[hbm4b:s31+s5] =	stream.linear.scatter [tilespmem:s30], [sflag:$0x1], $0x80, $0x38;
	[tilespmem:$0x10080] =	vst v63  }
.LBB2_4:
0x60: {  	[hbm4b:s22+s5] =	stream.linear.scatter [tilespmem:s21], [sflag:$0x1], $0x80, $0x38;
	[tilespmem:$0x10080] =	vst v63  }
0x61: {  	s21 =	smov.u32 s20  }
0x62: {  	s23 =	sadd.s32 $0x1000, s20;
	s22 =	sadd.s32 s19, s16;
	s19 =	sshra.s32 s21, $0x2  }
0x63: {  	p0 =	sne.s32 s20, $0x3000;
	s20 =	sadd.s32 $0x8000, s22  }
0x64: {  	[hbm4b:s18+s5] =	stream.linear.scatter [tilespmem:s20], [sflag:$0x1], $0x80, $0x38;
	[tilespmem:$0x10080] =	vst v63  }
0x65: {  	s21 =	sadd.s32 $0x10, s18;
	s20 =	sadd.s32 $0x9000, s22  }
0x66: {  	[hbm4b:s21+s5] =	stream.linear.scatter [tilespmem:s20], [sflag:$0x1], $0x80, $0x38;
	[tilespmem:$0x10080] =	vst v63  }
0x67: {  	s20 =	sadd.s32 $0xA000, s22;
	s21 =	sadd.s32 $0x20, s18  }
0x68: {  	[hbm4b:s21+s5] =	stream.linear.scatter [tilespmem:s20], [sflag:$0x1], $0x80, $0x38;
	[tilespmem:$0x10080] =	vst v63  }
0x69: {  	s20 =	sadd.s32 $0xB000, s22;
	s21 =	sadd.s32 $0x30, s18  }
0x6a: {  	[hbm4b:s21+s5] =	stream.linear.scatter [tilespmem:s20], [sflag:$0x1], $0x80, $0x38;
	[tilespmem:$0x10080] =	vst v63  }
0x6b: {  	s20 =	sadd.s32 $0xC000, s22;
	s21 =	sadd.s32 $0x40, s18  }
0x6c: {  	[hbm4b:s21+s5] =	stream.linear.scatter [tilespmem:s20], [sflag:$0x1], $0x80, $0x38;
	[tilespmem:$0x10080] =	vst v63  }
0x6d: {  	s20 =	sadd.s32 $0xD000, s22;
	s21 =	sadd.s32 $0x50, s18  }
0x6e: {  	[hbm4b:s21+s5] =	stream.linear.scatter [tilespmem:s20], [sflag:$0x1], $0x80, $0x38;
	[tilespmem:$0x10080] =	vst v63  }
.Ltmp1:
0x6f: {  	_ = 	snop;
	(pc) =	sbr.rel @p0 .LBB2_4-.Ltmp1, $4  }
0x70: {  	s20 =	sadd.s32 $0xE000, s22;
	s21 =	sadd.s32 $0x60, s18  }
0x71: {  	[hbm4b:s21+s5] =	stream.linear.scatter [tilespmem:s20], [sflag:$0x1], $0x80, $0x38;
	[tilespmem:$0x10080] =	vst v63  }
0x72: {  	s21 =	sadd.s32 $0xF000, s22  }
0x73: {  	s22 =	sadd.s32 $0x70, s18;
	s18 =	sadd.s32 $0x80, s18;
	s20 =	smov.u32 s23  }
0x74: {  	[hbm4b:s22+s5] =	stream.linear.scatter [tilespmem:s21], [sflag:$0x1], $0x80, $0x38;
	[tilespmem:$0x10080] =	vst v63  }
0x75: {  	s19 =	sadd.s32 s19, s16  }
0x76: {  	s20 =	sadd.s32 $0x8000, s19  }
0x77: {  	[hbm4b:s18+s5] =	stream.linear.scatter [tilespmem:s20], [sflag:$0x1], $0x80, $0x38;
	[tilespmem:$0x10080] =	vst v63  }
0x78: {  	s26 =	sadd.s32 $0x10, s18;
	s25 =	sadd.s32 $0x9000, s19  }
0x79: {  	[hbm4b:s26+s5] =	stream.linear.scatter [tilespmem:s25], [sflag:$0x1], $0x80, $0x38;
	[tilespmem:$0x10080] =	vst v63  }
0x7a: {  	s29 =	sadd.s32 $0x20, s18;
	s28 =	sadd.s32 $0xA000, s19  }
0x7b: {  	[hbm4b:s29+s5] =	stream.linear.scatter [tilespmem:s28], [sflag:$0x1], $0x80, $0x38;
	[tilespmem:$0x10080] =	vst v63  }
0x7c: {  	s31 =	sadd.s32 $0x30, s18;
	s30 =	sadd.s32 $0xB000, s19  }
0x7d: {  	[hbm4b:s31+s5] =	stream.linear.scatter [tilespmem:s30], [sflag:$0x1], $0x80, $0x38;
	[tilespmem:$0x10080] =	vst v63  }
0x7e: {  	s22 =	sadd.s32 $0x40, s18;
	s21 =	sadd.s32 $0xC000, s19  }
0x7f: {  	[hbm4b:s22+s5] =	stream.linear.scatter [tilespmem:s21], [sflag:$0x1], $0x80, $0x38;
	[tilespmem:$0x10080] =	vst v63  }
0x80: {  	s24 =	sadd.s32 $0x50, s18;
	s23 =	sadd.s32 $0xD000, s19  }
0x81: {  	[hbm4b:s24+s5] =	stream.linear.scatter [tilespmem:s23], [sflag:$0x1], $0x80, $0x38;
	[tilespmem:$0x10080] =	vst v63  }
0x82: {  	s25 =	sadd.s32 $0xE000, s19;
	s26 =	sadd.s32 $0x60, s18  }
0x83: {  	[hbm4b:s26+s5] =	stream.linear.scatter [tilespmem:s25], [sflag:$0x1], $0x80, $0x38;
	[tilespmem:$0x10080] =	vst v63  }
0x84: {  	s19 =	sadd.s32 $0xF000, s19;
	s28 =	sadd.s32 $0x70, s18  }
0x85: {  	[hbm4b:s28+s5] =	stream.linear.scatter [tilespmem:s19], [sflag:$0x1], $0x80, $0x38;
	[tilespmem:$0x10080] =	vst v63  }
0x86: {  	s29 =	sadd.s32 $0x7D0000, s17;
	_ =	swait.ge [sflag:s10], $0x2000  }
0x87: {  	s18 =	sshrl.u32 s29, $0x3;
	[sflag:s10] =	ssyncset.done $0x0  }
0x88: {  	s18 =	sadd.s32 s3, s18;
	[sflag:s10] =	ssyncadd.s32 $0xFFFFE000  }
0x89: {  	[tilespmem:s13], [sflag:$0x1] =	stream.strided.gather [hbm4b:s18+s11], $0x10000, s12, s11, $0x38;
	[tilespmem:$0x10080] =	vst v63  }
0x8a: {  	_ =	swait.ge [sflag:s10], $0x10000  }
0x8b: {  	[sflag:s10] =	ssyncset.done $0x0  }
0x8c: {  	s18 =	sadd.s32 $0x0, s16;
	[sflag:s10] =	ssyncadd.s32 $0xFFFF0000  }
0x8d: {  	[hbm4b:s7+s5] =	stream.linear.scatter [tilespmem:s18], [sflag:$0x1], $0x80, $0x38;
	[tilespmem:$0x10080] =	vst v63  }
0x8e: {  	s31 =	sadd.s32 $0x10, s7;
	s30 =	sadd.s32 $0x1000, s18  }
0x8f: {  	[hbm4b:s31+s5] =	stream.linear.scatter [tilespmem:s30], [sflag:$0x1], $0x80, $0x38;
	[tilespmem:$0x10080] =	vst v63  }
0x90: {  	s20 =	simm.s32 $0x2000;
	s22 =	sadd.s32 $0x20, s7;
	s21 =	sadd.s32 $0x2000, s18  }
0x91: {  	[hbm4b:s22+s5] =	stream.linear.scatter [tilespmem:s21], [sflag:$0x1], $0x80, $0x38;
	[tilespmem:$0x10080] =	vst v63  }
0x92: {  	s29 =	sadd.s32 $0x50, s7;
	s24 =	sadd.s32 $0x30, s7;
	s23 =	sadd.s32 $0x3000, s18  }
0x93: {  	[hbm4b:s24+s5] =	stream.linear.scatter [tilespmem:s23], [sflag:$0x1], $0x80, $0x38;
	[tilespmem:$0x10080] =	vst v63  }
0x94: {  	s26 =	sadd.s32 $0x40, s7;
	s19 =	simm.s32 $0x400;
	s25 =	sadd.s32 $0x4000, s18  }
0x95: {  	[hbm4b:s26+s5] =	stream.linear.scatter [tilespmem:s25], [sflag:$0x1], $0x80, $0x38;
	[tilespmem:$0x10080] =	vst v63  }
0x96: {  	s28 =	sadd.s32 $0x5000, s18;
	s30 =	sadd.s32 $0x6000, s18;
	s31 =	sadd.s32 $0x60, s7  }
0x97: {  	[hbm4b:s29+s5] =	stream.linear.scatter [tilespmem:s28], [sflag:$0x1], $0x80, $0x38;
	[tilespmem:$0x10080] =	vst v63  }
0x98: {  	s21 =	sadd.s32 $0x7000, s18;
	s22 =	sadd.s32 $0x70, s7;
	s18 =	sadd.s32 $0x80, s7  }
0x99: {  	[hbm4b:s31+s5] =	stream.linear.scatter [tilespmem:s30], [sflag:$0x1], $0x80, $0x38;
	[tilespmem:$0x10080] =	vst v63  }
.LBB2_6:
0x9a: {  	[hbm4b:s22+s5] =	stream.linear.scatter [tilespmem:s21], [sflag:$0x1], $0x80, $0x38;
	[tilespmem:$0x10080] =	vst v63  }
0x9b: {  	s21 =	smov.u32 s20  }
0x9c: {  	s23 =	sadd.s32 $0x1000, s20;
	s22 =	sadd.s32 s19, s16;
	s19 =	sshra.s32 s21, $0x2  }
0x9d: {  	[hbm4b:s18+s5] =	stream.linear.scatter [tilespmem:s22], [sflag:$0x1], $0x80, $0x38;
	[tilespmem:$0x10080] =	vst v63  }
0x9e: {  	p0 =	sne.s32 s20, $0x3000;
	s20 =	sadd.s32 $0x1000, s22;
	s21 =	sadd.s32 $0x10, s18  }
0x9f: {  	[hbm4b:s21+s5] =	stream.linear.scatter [tilespmem:s20], [sflag:$0x1], $0x80, $0x38;
	[tilespmem:$0x10080] =	vst v63  }
0xa0: {  	s20 =	sadd.s32 $0x2000, s22;
	s21 =	sadd.s32 $0x20, s18  }
0xa1: {  	[hbm4b:s21+s5] =	stream.linear.scatter [tilespmem:s20], [sflag:$0x1], $0x80, $0x38;
	[tilespmem:$0x10080] =	vst v63  }
0xa2: {  	s20 =	sadd.s32 $0x3000, s22;
	s21 =	sadd.s32 $0x30, s18  }
0xa3: {  	[hbm4b:s21+s5] =	stream.linear.scatter [tilespmem:s20], [sflag:$0x1], $0x80, $0x38;
	[tilespmem:$0x10080] =	vst v63  }
0xa4: {  	s20 =	sadd.s32 $0x4000, s22;
	s21 =	sadd.s32 $0x40, s18  }
0xa5: {  	[hbm4b:s21+s5] =	stream.linear.scatter [tilespmem:s20], [sflag:$0x1], $0x80, $0x38;
	[tilespmem:$0x10080] =	vst v63  }
0xa6: {  	s20 =	sadd.s32 $0x5000, s22;
	s21 =	sadd.s32 $0x50, s18  }
0xa7: {  	[hbm4b:s21+s5] =	stream.linear.scatter [tilespmem:s20], [sflag:$0x1], $0x80, $0x38;
	[tilespmem:$0x10080] =	vst v63  }
.Ltmp2:
0xa8: {  	_ = 	snop;
	(pc) =	sbr.rel @p0 .LBB2_6-.Ltmp2, $4  }
0xa9: {  	s20 =	sadd.s32 $0x6000, s22;
	s21 =	sadd.s32 $0x60, s18  }
0xaa: {  	[hbm4b:s21+s5] =	stream.linear.scatter [tilespmem:s20], [sflag:$0x1], $0x80, $0x38;
	[tilespmem:$0x10080] =	vst v63  }
0xab: {  	s21 =	sadd.s32 $0x7000, s22  }
0xac: {  	s22 =	sadd.s32 $0x70, s18;
	s18 =	sadd.s32 $0x80, s18;
	s20 =	smov.u32 s23  }
0xad: {  	[hbm4b:s22+s5] =	stream.linear.scatter [tilespmem:s21], [sflag:$0x1], $0x80, $0x38;
	[tilespmem:$0x10080] =	vst v63  }
0xae: {  	s19 =	sadd.s32 s19, s16  }
0xaf: {  	[hbm4b:s18+s5] =	stream.linear.scatter [tilespmem:s19], [sflag:$0x1], $0x80, $0x38;
	[tilespmem:$0x10080] =	vst v63  }
0xb0: {  	s26 =	sadd.s32 $0x10, s18;
	s20 =	sadd.s32 $0x1000, s19  }
0xb1: {  	[hbm4b:s26+s5] =	stream.linear.scatter [tilespmem:s20], [sflag:$0x1], $0x80, $0x38;
	[tilespmem:$0x10080] =	vst v63  }
0xb2: {  	s29 =	sadd.s32 $0x20, s18;
	s28 =	sadd.s32 $0x2000, s19  }
0xb3: {  	[hbm4b:s29+s5] =	stream.linear.scatter [tilespmem:s28], [sflag:$0x1], $0x80, $0x38;
	[tilespmem:$0x10080] =	vst v63  }
0xb4: {  	s31 =	sadd.s32 $0x30, s18;
	s30 =	sadd.s32 $0x3000, s19  }
0xb5: {  	[hbm4b:s31+s5] =	stream.linear.scatter [tilespmem:s30], [sflag:$0x1], $0x80, $0x38;
	[tilespmem:$0x10080] =	vst v63  }
0xb6: {  	s22 =	sadd.s32 $0x40, s18;
	s21 =	sadd.s32 $0x4000, s19  }
0xb7: {  	[hbm4b:s22+s5] =	stream.linear.scatter [tilespmem:s21], [sflag:$0x1], $0x80, $0x38;
	[tilespmem:$0x10080] =	vst v63  }
0xb8: {  	s24 =	sadd.s32 $0x50, s18;
	s23 =	sadd.s32 $0x5000, s19  }
0xb9: {  	[hbm4b:s24+s5] =	stream.linear.scatter [tilespmem:s23], [sflag:$0x1], $0x80, $0x38;
	[tilespmem:$0x10080] =	vst v63  }
0xba: {  	s25 =	sadd.s32 $0x6000, s19;
	s26 =	sadd.s32 $0x60, s18  }
0xbb: {  	[hbm4b:s26+s5] =	stream.linear.scatter [tilespmem:s25], [sflag:$0x1], $0x80, $0x38;
	[tilespmem:$0x10080] =	vst v63  }
0xbc: {  	s19 =	sadd.s32 $0x7000, s19;
	s28 =	sadd.s32 $0x70, s18;
	s18 =	sadd.s32 $0x0, s16  }
0xbd: {  	[hbm4b:s28+s5] =	stream.linear.scatter [tilespmem:s19], [sflag:$0x1], $0x80, $0x38;
	[tilespmem:$0x10080] =	vst v63  }
0xbe: {  	s29 =	sadd.s32 $0x8000, s18;
	s23 =	sadd.s32 $0x200, s7  }
0xbf: {  	[hbm4b:s23+s5] =	stream.linear.scatter [tilespmem:s29], [sflag:$0x1], $0x80, $0x38;
	[tilespmem:$0x10080] =	vst v63  }
0xc0: {  	s30 =	sadd.s32 $0x9000, s18;
	s31 =	sadd.s32 $0x10, s23  }
0xc1: {  	[hbm4b:s31+s5] =	stream.linear.scatter [tilespmem:s30], [sflag:$0x1], $0x80, $0x38;
	[tilespmem:$0x10080] =	vst v63  }
0xc2: {  	s20 =	sadd.s32 $0xA000, s18;
	s22 =	sadd.s32 $0xB000, s18;
	s21 =	sadd.s32 $0x20, s23  }
0xc3: {  	[hbm4b:s21+s5] =	stream.linear.scatter [tilespmem:s20], [sflag:$0x1], $0x80, $0x38;
	[tilespmem:$0x10080] =	vst v63  }
0xc4: {  	s24 =	sadd.s32 $0x30, s23;
	s25 =	sadd.s32 $0xC000, s18;
	s26 =	sadd.s32 $0x40, s23  }
0xc5: {  	[hbm4b:s24+s5] =	stream.linear.scatter [tilespmem:s22], [sflag:$0x1], $0x80, $0x38;
	[tilespmem:$0x10080] =	vst v63  }
0xc6: {  	s28 =	sadd.s32 $0xD000, s18;
	s19 =	simm.s32 $0x400;
	s29 =	sadd.s32 $0x50, s23  }
0xc7: {  	[hbm4b:s26+s5] =	stream.linear.scatter [tilespmem:s25], [sflag:$0x1], $0x80, $0x38;
	[tilespmem:$0x10080] =	vst v63  }
0xc8: {  	s30 =	sadd.s32 $0xE000, s18;
	s31 =	sadd.s32 $0x60, s23;
	s20 =	simm.s32 $0x2000  }
0xc9: {  	[hbm4b:s29+s5] =	stream.linear.scatter [tilespmem:s28], [sflag:$0x1], $0x80, $0x38;
	[tilespmem:$0x10080] =	vst v63  }
0xca: {  	s21 =	sadd.s32 $0xF000, s18;
	s18 =	sadd.s32 $0x80, s23;
	s22 =	sadd.s32 $0x70, s23  }
0xcb: {  	[hbm4b:s31+s5] =	stream.linear.scatter [tilespmem:s30], [sflag:$0x1], $0x80, $0x38;
	[tilespmem:$0x10080] =	vst v63  }
.LBB2_8:
0xcc: {  	[hbm4b:s22+s5] =	stream.linear.scatter [tilespmem:s21], [sflag:$0x1], $0x80, $0x38;
	[tilespmem:$0x10080] =	vst v63  }
0xcd: {  	s21 =	smov.u32 s20  }
0xce: {  	s23 =	sadd.s32 $0x1000, s20;
	s22 =	sadd.s32 s19, s16;
	s19 =	sshra.s32 s21, $0x2  }
0xcf: {  	p0 =	sne.s32 s20, $0x3000;
	s20 =	sadd.s32 $0x8000, s22  }
0xd0: {  	[hbm4b:s18+s5] =	stream.linear.scatter [tilespmem:s20], [sflag:$0x1], $0x80, $0x38;
	[tilespmem:$0x10080] =	vst v63  }
0xd1: {  	s21 =	sadd.s32 $0x10, s18;
	s20 =	sadd.s32 $0x9000, s22  }
0xd2: {  	[hbm4b:s21+s5] =	stream.linear.scatter [tilespmem:s20], [sflag:$0x1], $0x80, $0x38;
	[tilespmem:$0x10080] =	vst v63  }
0xd3: {  	s20 =	sadd.s32 $0xA000, s22;
	s21 =	sadd.s32 $0x20, s18  }
0xd4: {  	[hbm4b:s21+s5] =	stream.linear.scatter [tilespmem:s20], [sflag:$0x1], $0x80, $0x38;
	[tilespmem:$0x10080] =	vst v63  }
0xd5: {  	s20 =	sadd.s32 $0xB000, s22;
	s21 =	sadd.s32 $0x30, s18  }
0xd6: {  	[hbm4b:s21+s5] =	stream.linear.scatter [tilespmem:s20], [sflag:$0x1], $0x80, $0x38;
	[tilespmem:$0x10080] =	vst v63  }
0xd7: {  	s20 =	sadd.s32 $0xC000, s22;
	s21 =	sadd.s32 $0x40, s18  }
0xd8: {  	[hbm4b:s21+s5] =	stream.linear.scatter [tilespmem:s20], [sflag:$0x1], $0x80, $0x38;
	[tilespmem:$0x10080] =	vst v63  }
0xd9: {  	s20 =	sadd.s32 $0xD000, s22;
	s21 =	sadd.s32 $0x50, s18  }
0xda: {  	[hbm4b:s21+s5] =	stream.linear.scatter [tilespmem:s20], [sflag:$0x1], $0x80, $0x38;
	[tilespmem:$0x10080] =	vst v63  }
.Ltmp3:
0xdb: {  	_ = 	snop;
	(pc) =	sbr.rel @p0 .LBB2_8-.Ltmp3, $4  }
0xdc: {  	s20 =	sadd.s32 $0xE000, s22;
	s21 =	sadd.s32 $0x60, s18  }
0xdd: {  	[hbm4b:s21+s5] =	stream.linear.scatter [tilespmem:s20], [sflag:$0x1], $0x80, $0x38;
	[tilespmem:$0x10080] =	vst v63  }
0xde: {  	s21 =	sadd.s32 $0xF000, s22  }
0xdf: {  	s22 =	sadd.s32 $0x70, s18;
	s18 =	sadd.s32 $0x80, s18;
	s20 =	smov.u32 s23  }
0xe0: {  	[hbm4b:s22+s5] =	stream.linear.scatter [tilespmem:s21], [sflag:$0x1], $0x80, $0x38;
	[tilespmem:$0x10080] =	vst v63  }
0xe1: {  	s19 =	sadd.s32 s19, s16  }
0xe2: {  	s20 =	sadd.s32 $0x8000, s19  }
0xe3: {  	[hbm4b:s18+s5] =	stream.linear.scatter [tilespmem:s20], [sflag:$0x1], $0x80, $0x38;
	[tilespmem:$0x10080] =	vst v63  }
0xe4: {  	s29 =	sadd.s32 $0x10, s18;
	s28 =	sadd.s32 $0x9000, s19  }
0xe5: {  	[hbm4b:s29+s5] =	stream.linear.scatter [tilespmem:s28], [sflag:$0x1], $0x80, $0x38;
	[tilespmem:$0x10080] =	vst v63  }
0xe6: {  	s31 =	sadd.s32 $0x20, s18;
	s30 =	sadd.s32 $0xA000, s19  }
0xe7: {  	[hbm4b:s31+s5] =	stream.linear.scatter [tilespmem:s30], [sflag:$0x1], $0x80, $0x38;
	[tilespmem:$0x10080] =	vst v63  }
0xe8: {  	s23 =	sadd.s32 $0x30, s18;
	s22 =	sadd.s32 $0xB000, s19  }
0xe9: {  	[hbm4b:s23+s5] =	stream.linear.scatter [tilespmem:s22], [sflag:$0x1], $0x80, $0x38;
	[tilespmem:$0x10080] =	vst v63  }
0xea: {  	s25 =	sadd.s32 $0x40, s18;
	s24 =	sadd.s32 $0xC000, s19  }
0xeb: {  	[hbm4b:s25+s5] =	stream.linear.scatter [tilespmem:s24], [sflag:$0x1], $0x80, $0x38;
	[tilespmem:$0x10080] =	vst v63  }
0xec: {  	s26 =	sadd.s32 $0xD000, s19;
	s28 =	sadd.s32 $0x50, s18  }
0xed: {  	[hbm4b:s28+s5] =	stream.linear.scatter [tilespmem:s26], [sflag:$0x1], $0x80, $0x38;
	[tilespmem:$0x10080] =	vst v63  }
0xee: {  	s29 =	sadd.s32 $0xE000, s19;
	s30 =	sadd.s32 $0x60, s18  }
0xef: {  	[hbm4b:s30+s5] =	stream.linear.scatter [tilespmem:s29], [sflag:$0x1], $0x80, $0x38;
	[tilespmem:$0x10080] =	vst v63  }
0xf0: {  	s19 =	sadd.s32 $0xF000, s19;
	s31 =	sadd.s32 $0x70, s18  }
0xf1: {  	[hbm4b:s31+s5] =	stream.linear.scatter [tilespmem:s19], [sflag:$0x1], $0x80, $0x38;
	[tilespmem:$0x10080] =	vst v63  }
0xf2: {  	s17 =	sadd.s32 $0xFA0000, s17;
	_ =	swait.ge [sflag:s10], $0x2000  }
0xf3: {  	s17 =	sshrl.u32 s17, $0x3;
	[sflag:s10] =	ssyncset.done $0x0  }
0xf4: {  	s17 =	sadd.s32 s3, s17;
	[sflag:s10] =	ssyncadd.s32 $0xFFFFE000  }
0xf5: {  	[tilespmem:s13], [sflag:$0x1] =	stream.strided.gather [hbm4b:s17+s11], $0x4000, s12, s11, $0x38;
	[tilespmem:$0x10080] =	vst v63  }
0xf6: {  	_ =	swait.ge [sflag:s10], $0x4000  }
0xf7: {  	[sflag:s10] =	ssyncset.done $0x0  }
0xf8: {  	s17 =	sadd.s32 $0x0, s16;
	[sflag:s10] =	ssyncadd.s32 $0xFFFFC000  }
0xf9: {  	[hbm4b:s8+s5] =	stream.linear.scatter [tilespmem:s17], [sflag:$0x1], $0x80, $0x38;
	[tilespmem:$0x10080] =	vst v63  }
0xfa: {  	s20 =	sadd.s32 $0x10, s8;
	s19 =	sadd.s32 $0x1000, s17  }
0xfb: {  	[hbm4b:s20+s5] =	stream.linear.scatter [tilespmem:s19], [sflag:$0x1], $0x80, $0x38;
	[tilespmem:$0x10080] =	vst v63  }
0xfc: {  	s18 =	simm.s32 $0x400;
	s22 =	sadd.s32 $0x20, s8;
	s21 =	sadd.s32 $0x2000, s17  }
0xfd: {  	[hbm4b:s22+s5] =	stream.linear.scatter [tilespmem:s21], [sflag:$0x1], $0x80, $0x38;
	[tilespmem:$0x10080] =	vst v63  }
0xfe: {  	s24 =	sadd.s32 $0x30, s8;
	s26 =	sadd.s32 $0x40, s8;
	s23 =	sadd.s32 $0x3000, s17  }
0xff: {  	[hbm4b:s24+s5] =	stream.linear.scatter [tilespmem:s23], [sflag:$0x1], $0x80, $0x38;
	[tilespmem:$0x10080] =	vst v63  }
0x100: {  	s29 =	sadd.s32 $0x50, s8;
	s31 =	sadd.s32 $0x60, s8;
	s25 =	sadd.s32 $0x4000, s17  }
0x101: {  	[hbm4b:s26+s5] =	stream.linear.scatter [tilespmem:s25], [sflag:$0x1], $0x80, $0x38;
	[tilespmem:$0x10080] =	vst v63  }
0x102: {  	s28 =	sadd.s32 $0x5000, s17;
	s30 =	sadd.s32 $0x6000, s17;
	s19 =	simm.s32 $0x2000  }
0x103: {  	[hbm4b:s29+s5] =	stream.linear.scatter [tilespmem:s28], [sflag:$0x1], $0x80, $0x38;
	[tilespmem:$0x10080] =	vst v63  }
0x104: {  	s20 =	sadd.s32 $0x7000, s17;
	s17 =	sadd.s32 $0x80, s8;
	s21 =	sadd.s32 $0x70, s8  }
0x105: {  	[hbm4b:s31+s5] =	stream.linear.scatter [tilespmem:s30], [sflag:$0x1], $0x80, $0x38;
	[tilespmem:$0x10080] =	vst v63  }
.LBB2_10:
0x106: {  	[hbm4b:s21+s5] =	stream.linear.scatter [tilespmem:s20], [sflag:$0x1], $0x80, $0x38;
	[tilespmem:$0x10080] =	vst v63  }
0x107: {  	s20 =	smov.u32 s19  }
0x108: {  	s22 =	sadd.s32 $0x1000, s19;
	s21 =	sadd.s32 s18, s16;
	s18 =	sshra.s32 s20, $0x2  }
0x109: {  	[hbm4b:s17+s5] =	stream.linear.scatter [tilespmem:s21], [sflag:$0x1], $0x80, $0x38;
	[tilespmem:$0x10080] =	vst v63  }
0x10a: {  	p0 =	sne.s32 s19, $0x3000;
	s19 =	sadd.s32 $0x1000, s21;
	s20 =	sadd.s32 $0x10, s17  }
0x10b: {  	[hbm4b:s20+s5] =	stream.linear.scatter [tilespmem:s19], [sflag:$0x1], $0x80, $0x38;
	[tilespmem:$0x10080] =	vst v63  }
0x10c: {  	s19 =	sadd.s32 $0x2000, s21;
	s20 =	sadd.s32 $0x20, s17  }
0x10d: {  	[hbm4b:s20+s5] =	stream.linear.scatter [tilespmem:s19], [sflag:$0x1], $0x80, $0x38;
	[tilespmem:$0x10080] =	vst v63  }
0x10e: {  	s19 =	sadd.s32 $0x3000, s21;
	s20 =	sadd.s32 $0x30, s17  }
0x10f: {  	[hbm4b:s20+s5] =	stream.linear.scatter [tilespmem:s19], [sflag:$0x1], $0x80, $0x38;
	[tilespmem:$0x10080] =	vst v63  }
0x110: {  	s19 =	sadd.s32 $0x4000, s21;
	s20 =	sadd.s32 $0x40, s17  }
0x111: {  	[hbm4b:s20+s5] =	stream.linear.scatter [tilespmem:s19], [sflag:$0x1], $0x80, $0x38;
	[tilespmem:$0x10080] =	vst v63  }
0x112: {  	s19 =	sadd.s32 $0x5000, s21;
	s20 =	sadd.s32 $0x50, s17  }
0x113: {  	[hbm4b:s20+s5] =	stream.linear.scatter [tilespmem:s19], [sflag:$0x1], $0x80, $0x38;
	[tilespmem:$0x10080] =	vst v63  }
.Ltmp4:
0x114: {  	_ = 	snop;
	(pc) =	sbr.rel @p0 .LBB2_10-.Ltmp4, $4  }
0x115: {  	s19 =	sadd.s32 $0x6000, s21;
	s20 =	sadd.s32 $0x60, s17  }
0x116: {  	[hbm4b:s20+s5] =	stream.linear.scatter [tilespmem:s19], [sflag:$0x1], $0x80, $0x38;
	[tilespmem:$0x10080] =	vst v63  }
0x117: {  	s20 =	sadd.s32 $0x7000, s21  }
0x118: {  	s21 =	sadd.s32 $0x70, s17;
	s17 =	sadd.s32 $0x80, s17;
	s19 =	smov.u32 s22  }
0x119: {  	[hbm4b:s21+s5] =	stream.linear.scatter [tilespmem:s20], [sflag:$0x1], $0x80, $0x38;
	[tilespmem:$0x10080] =	vst v63  }
0x11a: {  	s16 =	sadd.s32 s18, s16  }
0x11b: {  	[hbm4b:s17+s5] =	stream.linear.scatter [tilespmem:s16], [sflag:$0x1], $0x80, $0x38;
	[tilespmem:$0x10080] =	vst v63  }
0x11c: {  	s19 =	sadd.s32 $0x10, s17;
	s18 =	sadd.s32 $0x1000, s16  }
0x11d: {  	[hbm4b:s19+s5] =	stream.linear.scatter [tilespmem:s18], [sflag:$0x1], $0x80, $0x38;
	[tilespmem:$0x10080] =	vst v63  }
0x11e: {  	s21 =	sadd.s32 $0x20, s17;
	s20 =	sadd.s32 $0x2000, s16  }
0x11f: {  	[hbm4b:s21+s5] =	stream.linear.scatter [tilespmem:s20], [sflag:$0x1], $0x80, $0x38;
	[tilespmem:$0x10080] =	vst v63  }
0x120: {  	s23 =	sadd.s32 $0x30, s17;
	s22 =	sadd.s32 $0x3000, s16  }
0x121: {  	[hbm4b:s23+s5] =	stream.linear.scatter [tilespmem:s22], [sflag:$0x1], $0x80, $0x38;
	[tilespmem:$0x10080] =	vst v63  }
0x122: {  	s25 =	sadd.s32 $0x40, s17;
	s24 =	sadd.s32 $0x4000, s16  }
0x123: {  	[hbm4b:s25+s5] =	stream.linear.scatter [tilespmem:s24], [sflag:$0x1], $0x80, $0x38;
	[tilespmem:$0x10080] =	vst v63  }
0x124: {  	s28 =	sadd.s32 $0x50, s17;
	s15 =	sadd.s32 $0x1, s15;
	s26 =	sadd.s32 $0x5000, s16  }
0x125: {  	[hbm4b:s28+s5] =	stream.linear.scatter [tilespmem:s26], [sflag:$0x1], $0x80, $0x38;
	[tilespmem:$0x10080] =	vst v63  }
0x126: {  	s30 =	sadd.s32 $0x60, s17;
	s29 =	sadd.s32 $0x6000, s16;
	p0 =	sne.s32 s15, s9  }
0x127: {  	[hbm4b:s30+s5] =	stream.linear.scatter [tilespmem:s29], [sflag:$0x1], $0x80, $0x38;
	[tilespmem:$0x10080] =	vst v63  }
.Ltmp5:
0x128: {  	s31 =	sadd.s32 $0x70, s17;
	s16 =	sadd.s32 $0x7000, s16;
	(pc) =	sbr.rel @p0 .LBB2_1-.Ltmp5, $4  }
0x129: {  	[hbm4b:s31+s5] =	stream.linear.scatter [tilespmem:s16], [sflag:$0x1], $0x80, $0x38;
	[tilespmem:$0x10080] =	vst v63  }
0x12a: {  	_ =	swait.ge [sflag:s10], $0x1000  }
0x12b: {  	[sflag:s10] =	ssyncset.done $0x0  }
0x12c: {  	[sflag:s10] =	ssyncadd.s32 $0xFFFFF000  }
0x12d: {  	_ =	sfence.sel $0x180000  }
0x12e: {  	[bflag:$0x0] =	sbarrier.arrive $0xFFFF  }
0x12f: {  	p0 =	sne.s32 s0, $0x0;
	_ =	strace $0x90000047  }
0x130: {  	s0 =	sadd.s32 @!p0 $0x100000, s2;
	[bflag:$0x2] =	sbarrier.arrive $0xFFFF  }
0x131: {  	[sflag:s0] =	ssyncadd.tile.s32 @!p0 $0x1;
	_ =	shalt  }
.Lfunc_end2:
_tile_overlayer_lowered:
.L_overlay_start_2:
0x132: {  	(tag) =	ssettag $0x2  }
0x133: {  	s0 =	rddreg [dreg:$0x0];
	s2 =	stileid.u32  }
0x134: {  	s1 =	rddreg [dreg:$0x1];
	p0 =	sne.s32 s2, $0x0  }
0x135: {  	s3 =	rddreg [dreg:$0x2];
	[bflag:$0x3] =	sbarrier.arrive $0xFFFF;
	s2 =	simm.s32 @!p0 $0x1C01  }
0x136: {  	[timem:s3], [sflag:s2] =	dma.local @!p0 [hbm:s0], s1  }
0x137: {  	s0 =	simm.s32 @!p0 $0x1  }
0x138: {  	_ =	swait.ge @!p0 [sflag:s0], s1  }
0x139: {  	s1 =	ssub.s32 @!p0 $0x0, s1;
	[sflag:s0] =	ssyncset.done @!p0 $0x0  }
0x13a: {  	[sflag:s0] =	ssyncadd.s32 @!p0 s1  }
0x13b: {  	[bflag:$0x3] =	sbarrier.arrive $0xFFFF  }
0x13c: {  	_ =	shalt  }

</sc_bundles>
